<compile_context>
chip_gen: v7x
topology: tpu7x:2x2x1
jax: 0.10.2.dev20260603
libtpu: 0.0.44.dev20260713+nightly
codegen_flags: <defaults>
</compile_context>

<pallas_src>
import functools

import jax
import jax.numpy as jnp
from jax import lax
from jax.experimental import pallas as pl
from jax.experimental.pallas import tpu as pltpu
from jax.experimental.pallas import tpu_sc as plsc

_B = 16384
_C = 1000


_TCOLS = 12288
_BN = 2048


def _tc_body(q_ref, t_ref, out_ref):
    i = pl.program_id(0)

    @pl.when(i == 0)
    def _init():
        out_ref[...] = jnp.zeros((1, 1), jnp.float32)

    x = q_ref[...]
    tcol = t_ref[...].reshape(1, _BN)
    rows = lax.broadcasted_iota(jnp.int32, (_C, _BN), 0)
    picked = jnp.where(rows == tcol, x, 0.0)
    out_ref[...] += (jnp.sum(x * x) - 2.0 * jnp.sum(picked)).reshape(1, 1)


def _tc_part(q, t3):
    return pl.pallas_call(
        _tc_body,
        grid=(_TCOLS // _BN,),
        in_specs=[
            pl.BlockSpec((_C, _BN), lambda i: (0, i)),
            pl.BlockSpec((1, 1, _BN), lambda i: (i, 0, 0)),
        ],
        out_specs=pl.BlockSpec((1, 1), lambda i: (0, 0)),
        out_shape=jax.ShapeDtypeStruct((1, 1), jnp.float32),
    )(q, t3)



_NC = 2
_NS = 16
_NW = _NC * _NS
_SCOLS = _B - _TCOLS
_CPW = _SCOLS // _NW
_CR = 40
_NBUF = 5
_NCH = _C // _CR
_NG = _CPW // 16

_mesh = plsc.VectorSubcoreMesh(core_axis_name="c", subcore_axis_name="s")


@functools.partial(
    pl.kernel,
    mesh=_mesh,
    compiler_params=pltpu.CompilerParams(use_tc_tiling_on_sc=True),
    out_type=jax.ShapeDtypeStruct((_NW, 16), jnp.float32),
    scratch_types=[
        pltpu.VMEM((_CR, _CPW), jnp.float32),
        pltpu.VMEM((_CR, _CPW), jnp.float32),
        pltpu.VMEM((_CR, _CPW), jnp.float32),
        pltpu.VMEM((_CR, _CPW), jnp.float32),
        pltpu.VMEM((_CR, _CPW), jnp.float32),
        pltpu.VMEM((_CPW,), jnp.int32),
        pltpu.VMEM((16,), jnp.float32),
        pltpu.SemaphoreType.DMA,
        pltpu.SemaphoreType.DMA,
        pltpu.SemaphoreType.DMA,
        pltpu.SemaphoreType.DMA,
        pltpu.SemaphoreType.DMA,
    ],
)
def _brier_sc(q_hbm, t_hbm, out_hbm, buf0, buf1, buf2, buf3, buf4,
              t_v, acc_v, sem0, sem1, sem2, sem3, sem4):
    wid = lax.axis_index("s") * _NC + lax.axis_index("c")
    cbase = _TCOLS + wid * _CPW
    pltpu.sync_copy(t_hbm.at[pl.ds(cbase, _CPW)], t_v)
    bufs = (buf0, buf1, buf2, buf3, buf4)
    sems = (sem0, sem1, sem2, sem3, sem4)

    def start(c, b):
        pltpu.async_copy(
            q_hbm.at[pl.ds(c * _CR, _CR), pl.ds(cbase, _CPW)],
            bufs[b], sems[b])

    def drain(c, b):
        pltpu.make_async_copy(
            q_hbm.at[pl.ds(c * _CR, _CR), pl.ds(cbase, _CPW)],
            bufs[b], sems[b]).wait()

    for _b in range(_NBUF):
        start(_b, _b)

    tvs = tuple(t_v[pl.ds(g * 16, 16)] for g in range(_NG))
    zero16 = jnp.zeros((16,), jnp.float32)
    init = (zero16, zero16, zero16, zero16)

    def chunk_step(c5, accs):
        for b in range(_NBUF):
            c = c5 * _NBUF + b
            buf = bufs[b]
            drain(c, b)
            r0 = c * _CR

            def row_body(rr, accs):
                s0, s1, p0, p1 = accs
                rg = r0 + rr
                for g in range(_NG):
                    v = buf[rr, pl.ds(g * 16, 16)]
                    sel = jnp.where(tvs[g] == rg, v, 0.0)
                    if g % 2 == 0:
                        s0 = s0 + v * v
                        p0 = p0 + sel
                    else:
                        s1 = s1 + v * v
                        p1 = p1 + sel
                return (s0, s1, p0, p1)

            accs = lax.fori_loop(0, _CR, row_body, accs)

            @pl.when(c + _NBUF < _NCH)
            def _refill():
                start(c + _NBUF, b)

        return accs

    s0, s1, p0, p1 = lax.fori_loop(0, _NCH // _NBUF, chunk_step, init)
    acc_v[...] = (s0 + s1) - 2.0 * (p0 + p1)
    pltpu.sync_copy(acc_v, out_hbm.at[wid])




def kernel(p, t):
    t32 = t.astype(jnp.int32)
    q = p.T
    partials = _brier_sc(q, t32)
    tc_sum = _tc_part(q, t32.reshape(_B // _BN, 1, _BN))[0, 0]
    return (tc_sum + jnp.sum(partials)) / _B + 1.0

# --- scband reference (transcript-rebuilt; emitter-appended) ---
"""Pipeline reference for scband-classification-brier-74191265071416 (READ-ONLY COPY).

The authoritative reference and input builder live on the scoring server;
editing this copy changes nothing except your own understanding.
"""

import jax, jax.numpy as jnp
import numpy as np

B = 16384
C = 1000

def setup_inputs(seed: int = 0) -> dict:
    key = jax.random.key(seed)
    k1, k2 = jax.random.split(key)
    p = jax.random.uniform(k1, (B, C), dtype=jnp.float32)
    t = jax.random.randint(k2, (B,), 0, C, dtype=jnp.int64 if jax.config.read('jax_enable_x64') else jnp.int32)
    return {"p": p, "t": t}

def reference(p, t):
    # y = scatter one-hot: zeros_like(p).scatter_(1, t.unsqueeze(1), 1.0)
    y = jnp.zeros_like(p).at[jnp.arange(p.shape[0]), t].set(1.0)
    return ((p - y) ** 2).sum(axis=1).mean()

if __name__ == "__main__":
    import jax
    _d = setup_inputs()
    print(jax.jit(kernel)(*tuple(_d.values())))

</pallas_src>

<mosaic_0001>
#map = affine_map<(d0, d1) -> (0, 0)>
#map1 = affine_map<(d0, d1) -> (0)>
module attributes {stable_mosaic.version = 14 : i64} {
  func.func @_brier_sc(%arg0: i32, %arg1: i32, %arg2: memref<1000x16384xf32, #tpu.memory_space<hbm>>, %arg3: memref<16384xi32, #tpu.memory_space<hbm>>, %arg4: memref<32x16xf32, #tpu.memory_space<hbm>>, %arg5: memref<40x128xf32, #tpu.memory_space<vmem>>, %arg6: memref<40x128xf32, #tpu.memory_space<vmem>>, %arg7: memref<40x128xf32, #tpu.memory_space<vmem>>, %arg8: memref<40x128xf32, #tpu.memory_space<vmem>>, %arg9: memref<40x128xf32, #tpu.memory_space<vmem>>, %arg10: memref<128xi32, #tpu.memory_space<vmem>>, %arg11: memref<16xf32, #tpu.memory_space<vmem>>, %arg12: memref<!tpu.dma_semaphore, #tpu.memory_space<semaphore_mem>>, %arg13: memref<!tpu.dma_semaphore, #tpu.memory_space<semaphore_mem>>, %arg14: memref<!tpu.dma_semaphore, #tpu.memory_space<semaphore_mem>>, %arg15: memref<!tpu.dma_semaphore, #tpu.memory_space<semaphore_mem>>, %arg16: memref<!tpu.dma_semaphore, #tpu.memory_space<semaphore_mem>>) attributes {dimension_semantics = [#tpu.dimension_semantics<core_parallel>, #tpu.dimension_semantics<subcore_parallel>], iteration_bounds = array<i64: 2, 16>, scalar_prefetch = 0 : i64, scratch_operands = 12 : i64, tpu.core_type = #tpu.core_type<sc_vector_subcore>, window_params = [{transform_indices = #map}, {transform_indices = #map1}, {transform_indices = #map}]} {
    %mul3A = arith.constant 2 : i32
    %mul3A_0 = arith.muli %arg1, %mul3A : i32
    %add3A = arith.addi %mul3A_0, %arg0 : i32
    %mul3A_1 = arith.constant 128 : i32
    %mul3A_2 = arith.muli %add3A, %mul3A_1 : i32
    %add3A_3 = arith.constant 12288 : i32
    %add3A_4 = arith.addi %add3A_3, %mul3A_2 : i32
    "tpu.region"() ({
      %run_scoped3A = tpu.sem_alloc : memref<!tpu.dma_semaphore, #tpu.memory_space<semaphore_mem>>
      %dma_start3A_61 = tpu.memref_slice %arg3[%add3A_4] : memref<16384xi32, #tpu.memory_space<hbm>> -> memref<128xi32, #tpu.memory_space<hbm>>
      %dma_start3A_62 = tpu.memref_slice %arg3[%add3A_4] : memref<16384xi32, #tpu.memory_space<hbm>> -> memref<128xi32, #tpu.memory_space<hbm>>
      tpu.enqueue_dma source(%dma_start3A_62 : memref<128xi32, #tpu.memory_space<hbm>>) target(%arg10 : memref<128xi32, #tpu.memory_space<vmem>>) target_semaphore(%run_scoped3A : memref<!tpu.dma_semaphore, #tpu.memory_space<semaphore_mem>>)
      %dma_wait3A = tpu.memref_slice %arg3[%add3A_4] : memref<16384xi32, #tpu.memory_space<hbm>> -> memref<128xi32, #tpu.memory_space<hbm>>
      %dma_wait3A_63 = tpu.memref_slice %arg3[%add3A_4] : memref<16384xi32, #tpu.memory_space<hbm>> -> memref<128xi32, #tpu.memory_space<hbm>>
      tpu.wait_dma2 semaphore(%run_scoped3A : memref<!tpu.dma_semaphore, #tpu.memory_space<semaphore_mem>>) src(%dma_wait3A_63 : memref<128xi32, #tpu.memory_space<hbm>>) dst(%arg10 : memref<128xi32, #tpu.memory_space<vmem>>)
      tpu.yield
    }) : () -> ()
    %dma_start3A = arith.constant 0 : i32
    %dma_start3A_5 = tpu.memref_slice %arg2[%dma_start3A, %add3A_4] : memref<1000x16384xf32, #tpu.memory_space<hbm>> -> memref<40x128xf32, #tpu.memory_space<hbm>>
    %dma_start3A_6 = arith.constant 0 : i32
    %dma_start3A_7 = tpu.memref_slice %arg2[%dma_start3A_6, %add3A_4] : memref<1000x16384xf32, #tpu.memory_space<hbm>> -> memref<40x128xf32, #tpu.memory_space<hbm>>
    tpu.enqueue_dma source(%dma_start3A_7 : memref<40x128xf32, #tpu.memory_space<hbm>>) target(%arg5 : memref<40x128xf32, #tpu.memory_space<vmem>>) target_semaphore(%arg12 : memref<!tpu.dma_semaphore, #tpu.memory_space<semaphore_mem>>)
    %dma_start3A_8 = arith.constant 40 : i32
    %dma_start3A_9 = tpu.memref_slice %arg2[%dma_start3A_8, %add3A_4] : memref<1000x16384xf32, #tpu.memory_space<hbm>> -> memref<40x128xf32, #tpu.memory_space<hbm>>
    %dma_start3A_10 = arith.constant 40 : i32
    %dma_start3A_11 = tpu.memref_slice %arg2[%dma_start3A_10, %add3A_4] : memref<1000x16384xf32, #tpu.memory_space<hbm>> -> memref<40x128xf32, #tpu.memory_space<hbm>>
    tpu.enqueue_dma source(%dma_start3A_11 : memref<40x128xf32, #tpu.memory_space<hbm>>) target(%arg6 : memref<40x128xf32, #tpu.memory_space<vmem>>) target_semaphore(%arg13 : memref<!tpu.dma_semaphore, #tpu.memory_space<semaphore_mem>>)
    %dma_start3A_12 = arith.constant 80 : i32
    %dma_start3A_13 = tpu.memref_slice %arg2[%dma_start3A_12, %add3A_4] : memref<1000x16384xf32, #tpu.memory_space<hbm>> -> memref<40x128xf32, #tpu.memory_space<hbm>>
    %dma_start3A_14 = arith.constant 80 : i32
    %dma_start3A_15 = tpu.memref_slice %arg2[%dma_start3A_14, %add3A_4] : memref<1000x16384xf32, #tpu.memory_space<hbm>> -> memref<40x128xf32, #tpu.memory_space<hbm>>
    tpu.enqueue_dma source(%dma_start3A_15 : memref<40x128xf32, #tpu.memory_space<hbm>>) target(%arg7 : memref<40x128xf32, #tpu.memory_space<vmem>>) target_semaphore(%arg14 : memref<!tpu.dma_semaphore, #tpu.memory_space<semaphore_mem>>)
    %dma_start3A_16 = arith.constant 120 : i32
    %dma_start3A_17 = tpu.memref_slice %arg2[%dma_start3A_16, %add3A_4] : memref<1000x16384xf32, #tpu.memory_space<hbm>> -> memref<40x128xf32, #tpu.memory_space<hbm>>
    %dma_start3A_18 = arith.constant 120 : i32
    %dma_start3A_19 = tpu.memref_slice %arg2[%dma_start3A_18, %add3A_4] : memref<1000x16384xf32, #tpu.memory_space<hbm>> -> memref<40x128xf32, #tpu.memory_space<hbm>>
    tpu.enqueue_dma source(%dma_start3A_19 : memref<40x128xf32, #tpu.memory_space<hbm>>) target(%arg8 : memref<40x128xf32, #tpu.memory_space<vmem>>) target_semaphore(%arg15 : memref<!tpu.dma_semaphore, #tpu.memory_space<semaphore_mem>>)
    %dma_start3A_20 = arith.constant 160 : i32
    %dma_start3A_21 = tpu.memref_slice %arg2[%dma_start3A_20, %add3A_4] : memref<1000x16384xf32, #tpu.memory_space<hbm>> -> memref<40x128xf32, #tpu.memory_space<hbm>>
    %dma_start3A_22 = arith.constant 160 : i32
    %dma_start3A_23 = tpu.memref_slice %arg2[%dma_start3A_22, %add3A_4] : memref<1000x16384xf32, #tpu.memory_space<hbm>> -> memref<40x128xf32, #tpu.memory_space<hbm>>
    tpu.enqueue_dma source(%dma_start3A_23 : memref<40x128xf32, #tpu.memory_space<hbm>>) target(%arg9 : memref<40x128xf32, #tpu.memory_space<vmem>>) target_semaphore(%arg16 : memref<!tpu.dma_semaphore, #tpu.memory_space<semaphore_mem>>)
    %get3A = arith.constant 0 : index
    %get3A_24 = tpu.vector_load %arg10[%get3A] {strides = array<i32>} : memref<128xi32, #tpu.memory_space<vmem>>, vector<16xi32>,
    %get3A_25 = vector.shape_cast %get3A_24 : vector<16xi32> to vector<16xi32>
    %get3A_26 = arith.constant 16 : index
    %get3A_27 = tpu.vector_load %arg10[%get3A_26] {strides = array<i32>} : memref<128xi32, #tpu.memory_space<vmem>>, vector<16xi32>,
    %get3A_28 = vector.shape_cast %get3A_27 : vector<16xi32> to vector<16xi32>
    %get3A_29 = arith.constant 32 : index
    %get3A_30 = tpu.vector_load %arg10[%get3A_29] {strides = array<i32>} : memref<128xi32, #tpu.memory_space<vmem>>, vector<16xi32>,
    %get3A_31 = vector.shape_cast %get3A_30 : vector<16xi32> to vector<16xi32>
    %get3A_32 = arith.constant 48 : index
    %get3A_33 = tpu.vector_load %arg10[%get3A_32] {strides = array<i32>} : memref<128xi32, #tpu.memory_space<vmem>>, vector<16xi32>,
    %get3A_34 = vector.shape_cast %get3A_33 : vector<16xi32> to vector<16xi32>
    %get3A_35 = arith.constant 64 : index
    %get3A_36 = tpu.vector_load %arg10[%get3A_35] {strides = array<i32>} : memref<128xi32, #tpu.memory_space<vmem>>, vector<16xi32>,
    %get3A_37 = vector.shape_cast %get3A_36 : vector<16xi32> to vector<16xi32>
    %get3A_38 = arith.constant 80 : index
    %get3A_39 = tpu.vector_load %arg10[%get3A_38] {strides = array<i32>} : memref<128xi32, #tpu.memory_space<vmem>>, vector<16xi32>,
    %get3A_40 = vector.shape_cast %get3A_39 : vector<16xi32> to vector<16xi32>
    %get3A_41 = arith.constant 96 : index
    %get3A_42 = tpu.vector_load %arg10[%get3A_41] {strides = array<i32>} : memref<128xi32, #tpu.memory_space<vmem>>, vector<16xi32>,
    %get3A_43 = vector.shape_cast %get3A_42 : vector<16xi32> to vector<16xi32>
    %get3A_44 = arith.constant 112 : index
    %get3A_45 = tpu.vector_load %arg10[%get3A_44] {strides = array<i32>} : memref<128xi32, #tpu.memory_space<vmem>>, vector<16xi32>,
    %get3A_46 = vector.shape_cast %get3A_45 : vector<16xi32> to vector<16xi32>
    %broadcast_in_dim3A = arith.constant 0.000000e+00 : f32
    %broadcast_in_dim3A_47 = vector.broadcast %broadcast_in_dim3A : f32 to vector<16xf32>
    %scan3A = arith.constant 0 : i32
    %scan3A_48 = arith.constant 5 : i32
    %scan3A_49 = arith.addi %scan3A, %scan3A_48 : i32
    %scan3A_50 = arith.constant 1 : i32
    %scan3A_51:4 = scf.for %scan3A_61 = %scan3A to %scan3A_49 step %scan3A_50 iter_args(%scan3A_62 = %broadcast_in_dim3A_47, %scan3A_63 = %broadcast_in_dim3A_47, %scan3A_64 = %broadcast_in_dim3A_47, %scan3A_65 = %broadcast_in_dim3A_47) -> (vector<16xf32>, vector<16xf32>, vector<16xf32>, vector<16xf32>)  : i32 {
      %mul3A_66 = arith.constant 5 : i32
      %mul3A_67 = arith.muli %scan3A_61, %mul3A_66 : i32
      %add3A_68 = arith.constant 0 : i32
      %add3A_69 = arith.addi %mul3A_67, %add3A_68 : i32
      %mul3A_70 = arith.constant 40 : i32
      %mul3A_71 = arith.muli %add3A_69, %mul3A_70 : i32
      %dma_wait3A = tpu.memref_slice %arg2[%mul3A_71, %add3A_4] : memref<1000x16384xf32, #tpu.memory_space<hbm>> -> memref<40x128xf32, #tpu.memory_space<hbm>>
      %dma_wait3A_72 = tpu.memref_slice %arg2[%mul3A_71, %add3A_4] : memref<1000x16384xf32, #tpu.memory_space<hbm>> -> memref<40x128xf32, #tpu.memory_space<hbm>>
      tpu.wait_dma2 semaphore(%arg12 : memref<!tpu.dma_semaphore, #tpu.memory_space<semaphore_mem>>) src(%dma_wait3A_72 : memref<40x128xf32, #tpu.memory_space<hbm>>) dst(%arg5 : memref<40x128xf32, #tpu.memory_space<vmem>>)
      %mul3A_73 = arith.constant 40 : i32
      %mul3A_74 = arith.muli %add3A_69, %mul3A_73 : i32
      %scan3A_75 = arith.constant 0 : i32
      %scan3A_76 = arith.constant 40 : i32
      %scan3A_77 = arith.addi %scan3A_75, %scan3A_76 : i32
      %scan3A_78 = arith.constant 1 : i32
      %scan3A_79:4 = scf.for %scan3A_177 = %scan3A_75 to %scan3A_77 step %scan3A_78 iter_args(%scan3A_178 = %scan3A_62, %scan3A_179 = %scan3A_63, %scan3A_180 = %scan3A_64, %scan3A_181 = %scan3A_65) -> (vector<16xf32>, vector<16xf32>, vector<16xf32>, vector<16xf32>)  : i32 {
        %add3A_182 = arith.addi %mul3A_74, %scan3A_177 : i32
        %get3A_183 = arith.index_cast %scan3A_177 : i32 to index
        %get3A_184 = arith.constant 0 : index
        %get3A_185 = tpu.vector_load %arg5[%get3A_183, %get3A_184] {strides = array<i32>} : memref<40x128xf32, #tpu.memory_space<vmem>>, vector<1x16xf32>,
        %get3A_186 = vector.shape_cast %get3A_185 : vector<1x16xf32> to vector<16xf32>
        %eq3A = vector.broadcast %add3A_182 : i32 to vector<16xi32>
        %eq3A_187 = arith.cmpi eq, %get3A_25, %eq3A : vector<16xi32>
        %jit3A = arith.constant 0.000000e+00 : f32
        %broadcast_in_dim3A_188 = vector.broadcast %jit3A : f32 to vector<16xf32>
        %select_n3A = arith.select %eq3A_187, %get3A_186, %broadcast_in_dim3A_188 : vector<16xi1>, vector<16xf32>
        %mul3A_189 = arith.mulf %get3A_186, %get3A_186 : vector<16xf32>
        %add3A_190 = arith.addf %scan3A_178, %mul3A_189 : vector<16xf32>
        %add3A_191 = arith.addf %scan3A_180, %select_n3A : vector<16xf32>
        %get3A_192 = arith.index_cast %scan3A_177 : i32 to index
        %get3A_193 = arith.constant 16 : index
        %get3A_194 = tpu.vector_load %arg5[%get3A_192, %get3A_193] {strides = array<i32>} : memref<40x128xf32, #tpu.memory_space<vmem>>, vector<1x16xf32>,
        %get3A_195 = vector.shape_cast %get3A_194 : vector<1x16xf32> to vector<16xf32>
        %eq3A_196 = vector.broadcast %add3A_182 : i32 to vector<16xi32>
        %eq3A_197 = arith.cmpi eq, %get3A_28, %eq3A_196 : vector<16xi32>
        %jit3A_198 = arith.constant 0.000000e+00 : f32
        %broadcast_in_dim3A_199 = vector.broadcast %jit3A_198 : f32 to vector<16xf32>
        %select_n3A_200 = arith.select %eq3A_197, %get3A_195, %broadcast_in_dim3A_199 : vector<16xi1>, vector<16xf32>
        %mul3A_201 = arith.mulf %get3A_195, %get3A_195 : vector<16xf32>
        %add3A_202 = arith.addf %scan3A_179, %mul3A_201 : vector<16xf32>
        %add3A_203 = arith.addf %scan3A_181, %select_n3A_200 : vector<16xf32>
        %get3A_204 = arith.index_cast %scan3A_177 : i32 to index
        %get3A_205 = arith.constant 32 : index
        %get3A_206 = tpu.vector_load %arg5[%get3A_204, %get3A_205] {strides = array<i32>} : memref<40x128xf32, #tpu.memory_space<vmem>>, vector<1x16xf32>,
        %get3A_207 = vector.shape_cast %get3A_206 : vector<1x16xf32> to vector<16xf32>
        %eq3A_208 = vector.broadcast %add3A_182 : i32 to vector<16xi32>
        %eq3A_209 = arith.cmpi eq, %get3A_31, %eq3A_208 : vector<16xi32>
        %jit3A_210 = arith.constant 0.000000e+00 : f32
        %broadcast_in_dim3A_211 = vector.broadcast %jit3A_210 : f32 to vector<16xf32>
        %select_n3A_212 = arith.select %eq3A_209, %get3A_207, %broadcast_in_dim3A_211 : vector<16xi1>, vector<16xf32>
        %mul3A_213 = arith.mulf %get3A_207, %get3A_207 : vector<16xf32>
        %add3A_214 = arith.addf %add3A_190, %mul3A_213 : vector<16xf32>
        %add3A_215 = arith.addf %add3A_191, %select_n3A_212 : vector<16xf32>
        %get3A_216 = arith.index_cast %scan3A_177 : i32 to index
        %get3A_217 = arith.constant 48 : index
        %get3A_218 = tpu.vector_load %arg5[%get3A_216, %get3A_217] {strides = array<i32>} : memref<40x128xf32, #tpu.memory_space<vmem>>, vector<1x16xf32>,
        %get3A_219 = vector.shape_cast %get3A_218 : vector<1x16xf32> to vector<16xf32>
        %eq3A_220 = vector.broadcast %add3A_182 : i32 to vector<16xi32>
        %eq3A_221 = arith.cmpi eq, %get3A_34, %eq3A_220 : vector<16xi32>
        %jit3A_222 = arith.constant 0.000000e+00 : f32
        %broadcast_in_dim3A_223 = vector.broadcast %jit3A_222 : f32 to vector<16xf32>
        %select_n3A_224 = arith.select %eq3A_221, %get3A_219, %broadcast_in_dim3A_223 : vector<16xi1>, vector<16xf32>
        %mul3A_225 = arith.mulf %get3A_219, %get3A_219 : vector<16xf32>
        %add3A_226 = arith.addf %add3A_202, %mul3A_225 : vector<16xf32>
        %add3A_227 = arith.addf %add3A_203, %select_n3A_224 : vector<16xf32>
        %get3A_228 = arith.index_cast %scan3A_177 : i32 to index
        %get3A_229 = arith.constant 64 : index
        %get3A_230 = tpu.vector_load %arg5[%get3A_228, %get3A_229] {strides = array<i32>} : memref<40x128xf32, #tpu.memory_space<vmem>>, vector<1x16xf32>,
        %get3A_231 = vector.shape_cast %get3A_230 : vector<1x16xf32> to vector<16xf32>
        %eq3A_232 = vector.broadcast %add3A_182 : i32 to vector<16xi32>
        %eq3A_233 = arith.cmpi eq, %get3A_37, %eq3A_232 : vector<16xi32>
        %jit3A_234 = arith.constant 0.000000e+00 : f32
        %broadcast_in_dim3A_235 = vector.broadcast %jit3A_234 : f32 to vector<16xf32>
        %select_n3A_236 = arith.select %eq3A_233, %get3A_231, %broadcast_in_dim3A_235 : vector<16xi1>, vector<16xf32>
        %mul3A_237 = arith.mulf %get3A_231, %get3A_231 : vector<16xf32>
        %add3A_238 = arith.addf %add3A_214, %mul3A_237 : vector<16xf32>
        %add3A_239 = arith.addf %add3A_215, %select_n3A_236 : vector<16xf32>
        %get3A_240 = arith.index_cast %scan3A_177 : i32 to index
        %get3A_241 = arith.constant 80 : index
        %get3A_242 = tpu.vector_load %arg5[%get3A_240, %get3A_241] {strides = array<i32>} : memref<40x128xf32, #tpu.memory_space<vmem>>, vector<1x16xf32>,
        %get3A_243 = vector.shape_cast %get3A_242 : vector<1x16xf32> to vector<16xf32>
        %eq3A_244 = vector.broadcast %add3A_182 : i32 to vector<16xi32>
        %eq3A_245 = arith.cmpi eq, %get3A_40, %eq3A_244 : vector<16xi32>
        %jit3A_246 = arith.constant 0.000000e+00 : f32
        %broadcast_in_dim3A_247 = vector.broadcast %jit3A_246 : f32 to vector<16xf32>
        %select_n3A_248 = arith.select %eq3A_245, %get3A_243, %broadcast_in_dim3A_247 : vector<16xi1>, vector<16xf32>
        %mul3A_249 = arith.mulf %get3A_243, %get3A_243 : vector<16xf32>
        %add3A_250 = arith.addf %add3A_226, %mul3A_249 : vector<16xf32>
        %add3A_251 = arith.addf %add3A_227, %select_n3A_248 : vector<16xf32>
        %get3A_252 = arith.index_cast %scan3A_177 : i32 to index
        %get3A_253 = arith.constant 96 : index
        %get3A_254 = tpu.vector_load %arg5[%get3A_252, %get3A_253] {strides = array<i32>} : memref<40x128xf32, #tpu.memory_space<vmem>>, vector<1x16xf32>,
        %get3A_255 = vector.shape_cast %get3A_254 : vector<1x16xf32> to vector<16xf32>
        %eq3A_256 = vector.broadcast %add3A_182 : i32 to vector<16xi32>
        %eq3A_257 = arith.cmpi eq, %get3A_43, %eq3A_256 : vector<16xi32>
        %jit3A_258 = arith.constant 0.000000e+00 : f32
        %broadcast_in_dim3A_259 = vector.broadcast %jit3A_258 : f32 to vector<16xf32>
        %select_n3A_260 = arith.select %eq3A_257, %get3A_255, %broadcast_in_dim3A_259 : vector<16xi1>, vector<16xf32>
        %mul3A_261 = arith.mulf %get3A_255, %get3A_255 : vector<16xf32>
        %add3A_262 = arith.addf %add3A_238, %mul3A_261 : vector<16xf32>
        %add3A_263 = arith.addf %add3A_239, %select_n3A_260 : vector<16xf32>
        %get3A_264 = arith.index_cast %scan3A_177 : i32 to index
        %get3A_265 = arith.constant 112 : index
        %get3A_266 = tpu.vector_load %arg5[%get3A_264, %get3A_265] {strides = array<i32>} : memref<40x128xf32, #tpu.memory_space<vmem>>, vector<1x16xf32>,
        %get3A_267 = vector.shape_cast %get3A_266 : vector<1x16xf32> to vector<16xf32>
        %eq3A_268 = vector.broadcast %add3A_182 : i32 to vector<16xi32>
        %eq3A_269 = arith.cmpi eq, %get3A_46, %eq3A_268 : vector<16xi32>
        %jit3A_270 = arith.constant 0.000000e+00 : f32
        %broadcast_in_dim3A_271 = vector.broadcast %jit3A_270 : f32 to vector<16xf32>
        %select_n3A_272 = arith.select %eq3A_269, %get3A_267, %broadcast_in_dim3A_271 : vector<16xi1>, vector<16xf32>
        %mul3A_273 = arith.mulf %get3A_267, %get3A_267 : vector<16xf32>
        %add3A_274 = arith.addf %add3A_250, %mul3A_273 : vector<16xf32>
        %add3A_275 = arith.addf %add3A_251, %select_n3A_272 : vector<16xf32>
        scf.yield %add3A_262, %add3A_274, %add3A_263, %add3A_275 : vector<16xf32>, vector<16xf32>, vector<16xf32>, vector<16xf32>
      }
      %scan3A_80 = arith.constant 40 : i32
      %add3A_81 = arith.constant 5 : i32
      %add3A_82 = arith.addi %add3A_69, %add3A_81 : i32
      %lt3A = arith.constant 25 : i32
      %lt3A_83 = arith.cmpi slt, %add3A_82, %lt3A : i32
      %convert_element_type3A = arith.extui %lt3A_83 : i1 to i32
      %cond3A = arith.constant 0 : i32
      %cond3A_84 = arith.cmpi ne, %convert_element_type3A, %cond3A : i32
      scf.if %cond3A_84 {
        %add3A_177 = arith.constant 5 : i32
        %add3A_178 = arith.addi %add3A_69, %add3A_177 : i32
        %mul3A_179 = arith.constant 40 : i32
        %mul3A_180 = arith.muli %add3A_178, %mul3A_179 : i32
        %dma_start3A_181 = tpu.memref_slice %arg2[%mul3A_180, %add3A_4] : memref<1000x16384xf32, #tpu.memory_space<hbm>> -> memref<40x128xf32, #tpu.memory_space<hbm>>
        %dma_start3A_182 = tpu.memref_slice %arg2[%mul3A_180, %add3A_4] : memref<1000x16384xf32, #tpu.memory_space<hbm>> -> memref<40x128xf32, #tpu.memory_space<hbm>>
        tpu.enqueue_dma source(%dma_start3A_182 : memref<40x128xf32, #tpu.memory_space<hbm>>) target(%arg5 : memref<40x128xf32, #tpu.memory_space<vmem>>) target_semaphore(%arg12 : memref<!tpu.dma_semaphore, #tpu.memory_space<semaphore_mem>>)
      } else {
      }
      %mul3A_85 = arith.constant 5 : i32
      %mul3A_86 = arith.muli %scan3A_61, %mul3A_85 : i32
      %add3A_87 = arith.constant 1 : i32
      %add3A_88 = arith.addi %mul3A_86, %add3A_87 : i32
      %mul3A_89 = arith.constant 40 : i32
      %mul3A_90 = arith.muli %add3A_88, %mul3A_89 : i32
      %dma_wait3A_91 = tpu.memref_slice %arg2[%mul3A_90, %add3A_4] : memref<1000x16384xf32, #tpu.memory_space<hbm>> -> memref<40x128xf32, #tpu.memory_space<hbm>>
      %dma_wait3A_92 = tpu.memref_slice %arg2[%mul3A_90, %add3A_4] : memref<1000x16384xf32, #tpu.memory_space<hbm>> -> memref<40x128xf32, #tpu.memory_space<hbm>>
      tpu.wait_dma2 semaphore(%arg13 : memref<!tpu.dma_semaphore, #tpu.memory_space<semaphore_mem>>) src(%dma_wait3A_92 : memref<40x128xf32, #tpu.memory_space<hbm>>) dst(%arg6 : memref<40x128xf32, #tpu.memory_space<vmem>>)
      %mul3A_93 = arith.constant 40 : i32
      %mul3A_94 = arith.muli %add3A_88, %mul3A_93 : i32
      %scan3A_95 = arith.constant 0 : i32
      %scan3A_96 = arith.constant 40 : i32
      %scan3A_97 = arith.addi %scan3A_95, %scan3A_96 : i32
      %scan3A_98 = arith.constant 1 : i32
      %scan3A_99:4 = scf.for %scan3A_177 = %scan3A_95 to %scan3A_97 step %scan3A_98 iter_args(%scan3A_178 = %scan3A_79#0, %scan3A_179 = %scan3A_79#1, %scan3A_180 = %scan3A_79#2, %scan3A_181 = %scan3A_79#3) -> (vector<16xf32>, vector<16xf32>, vector<16xf32>, vector<16xf32>)  : i32 {
        %add3A_182 = arith.addi %mul3A_94, %scan3A_177 : i32
        %get3A_183 = arith.index_cast %scan3A_177 : i32 to index
        %get3A_184 = arith.constant 0 : index
        %get3A_185 = tpu.vector_load %arg6[%get3A_183, %get3A_184] {strides = array<i32>} : memref<40x128xf32, #tpu.memory_space<vmem>>, vector<1x16xf32>,
        %get3A_186 = vector.shape_cast %get3A_185 : vector<1x16xf32> to vector<16xf32>
        %eq3A = vector.broadcast %add3A_182 : i32 to vector<16xi32>
        %eq3A_187 = arith.cmpi eq, %get3A_25, %eq3A : vector<16xi32>
        %jit3A = arith.constant 0.000000e+00 : f32
        %broadcast_in_dim3A_188 = vector.broadcast %jit3A : f32 to vector<16xf32>
        %select_n3A = arith.select %eq3A_187, %get3A_186, %broadcast_in_dim3A_188 : vector<16xi1>, vector<16xf32>
        %mul3A_189 = arith.mulf %get3A_186, %get3A_186 : vector<16xf32>
        %add3A_190 = arith.addf %scan3A_178, %mul3A_189 : vector<16xf32>
        %add3A_191 = arith.addf %scan3A_180, %select_n3A : vector<16xf32>
        %get3A_192 = arith.index_cast %scan3A_177 : i32 to index
        %get3A_193 = arith.constant 16 : index
        %get3A_194 = tpu.vector_load %arg6[%get3A_192, %get3A_193] {strides = array<i32>} : memref<40x128xf32, #tpu.memory_space<vmem>>, vector<1x16xf32>,
        %get3A_195 = vector.shape_cast %get3A_194 : vector<1x16xf32> to vector<16xf32>
        %eq3A_196 = vector.broadcast %add3A_182 : i32 to vector<16xi32>
        %eq3A_197 = arith.cmpi eq, %get3A_28, %eq3A_196 : vector<16xi32>
        %jit3A_198 = arith.constant 0.000000e+00 : f32
        %broadcast_in_dim3A_199 = vector.broadcast %jit3A_198 : f32 to vector<16xf32>
        %select_n3A_200 = arith.select %eq3A_197, %get3A_195, %broadcast_in_dim3A_199 : vector<16xi1>, vector<16xf32>
        %mul3A_201 = arith.mulf %get3A_195, %get3A_195 : vector<16xf32>
        %add3A_202 = arith.addf %scan3A_179, %mul3A_201 : vector<16xf32>
        %add3A_203 = arith.addf %scan3A_181, %select_n3A_200 : vector<16xf32>
        %get3A_204 = arith.index_cast %scan3A_177 : i32 to index
        %get3A_205 = arith.constant 32 : index
        %get3A_206 = tpu.vector_load %arg6[%get3A_204, %get3A_205] {strides = array<i32>} : memref<40x128xf32, #tpu.memory_space<vmem>>, vector<1x16xf32>,
        %get3A_207 = vector.shape_cast %get3A_206 : vector<1x16xf32> to vector<16xf32>
        %eq3A_208 = vector.broadcast %add3A_182 : i32 to vector<16xi32>
        %eq3A_209 = arith.cmpi eq, %get3A_31, %eq3A_208 : vector<16xi32>
        %jit3A_210 = arith.constant 0.000000e+00 : f32
        %broadcast_in_dim3A_211 = vector.broadcast %jit3A_210 : f32 to vector<16xf32>
        %select_n3A_212 = arith.select %eq3A_209, %get3A_207, %broadcast_in_dim3A_211 : vector<16xi1>, vector<16xf32>
        %mul3A_213 = arith.mulf %get3A_207, %get3A_207 : vector<16xf32>
        %add3A_214 = arith.addf %add3A_190, %mul3A_213 : vector<16xf32>
        %add3A_215 = arith.addf %add3A_191, %select_n3A_212 : vector<16xf32>
        %get3A_216 = arith.index_cast %scan3A_177 : i32 to index
        %get3A_217 = arith.constant 48 : index
        %get3A_218 = tpu.vector_load %arg6[%get3A_216, %get3A_217] {strides = array<i32>} : memref<40x128xf32, #tpu.memory_space<vmem>>, vector<1x16xf32>,
        %get3A_219 = vector.shape_cast %get3A_218 : vector<1x16xf32> to vector<16xf32>
        %eq3A_220 = vector.broadcast %add3A_182 : i32 to vector<16xi32>
        %eq3A_221 = arith.cmpi eq, %get3A_34, %eq3A_220 : vector<16xi32>
        %jit3A_222 = arith.constant 0.000000e+00 : f32
        %broadcast_in_dim3A_223 = vector.broadcast %jit3A_222 : f32 to vector<16xf32>
        %select_n3A_224 = arith.select %eq3A_221, %get3A_219, %broadcast_in_dim3A_223 : vector<16xi1>, vector<16xf32>
        %mul3A_225 = arith.mulf %get3A_219, %get3A_219 : vector<16xf32>
        %add3A_226 = arith.addf %add3A_202, %mul3A_225 : vector<16xf32>
        %add3A_227 = arith.addf %add3A_203, %select_n3A_224 : vector<16xf32>
        %get3A_228 = arith.index_cast %scan3A_177 : i32 to index
        %get3A_229 = arith.constant 64 : index
        %get3A_230 = tpu.vector_load %arg6[%get3A_228, %get3A_229] {strides = array<i32>} : memref<40x128xf32, #tpu.memory_space<vmem>>, vector<1x16xf32>,
        %get3A_231 = vector.shape_cast %get3A_230 : vector<1x16xf32> to vector<16xf32>
        %eq3A_232 = vector.broadcast %add3A_182 : i32 to vector<16xi32>
        %eq3A_233 = arith.cmpi eq, %get3A_37, %eq3A_232 : vector<16xi32>
        %jit3A_234 = arith.constant 0.000000e+00 : f32
        %broadcast_in_dim3A_235 = vector.broadcast %jit3A_234 : f32 to vector<16xf32>
        %select_n3A_236 = arith.select %eq3A_233, %get3A_231, %broadcast_in_dim3A_235 : vector<16xi1>, vector<16xf32>
        %mul3A_237 = arith.mulf %get3A_231, %get3A_231 : vector<16xf32>
        %add3A_238 = arith.addf %add3A_214, %mul3A_237 : vector<16xf32>
        %add3A_239 = arith.addf %add3A_215, %select_n3A_236 : vector<16xf32>
        %get3A_240 = arith.index_cast %scan3A_177 : i32 to index
        %get3A_241 = arith.constant 80 : index
        %get3A_242 = tpu.vector_load %arg6[%get3A_240, %get3A_241] {strides = array<i32>} : memref<40x128xf32, #tpu.memory_space<vmem>>, vector<1x16xf32>,
        %get3A_243 = vector.shape_cast %get3A_242 : vector<1x16xf32> to vector<16xf32>
        %eq3A_244 = vector.broadcast %add3A_182 : i32 to vector<16xi32>
        %eq3A_245 = arith.cmpi eq, %get3A_40, %eq3A_244 : vector<16xi32>
        %jit3A_246 = arith.constant 0.000000e+00 : f32
        %broadcast_in_dim3A_247 = vector.broadcast %jit3A_246 : f32 to vector<16xf32>
        %select_n3A_248 = arith.select %eq3A_245, %get3A_243, %broadcast_in_dim3A_247 : vector<16xi1>, vector<16xf32>
        %mul3A_249 = arith.mulf %get3A_243, %get3A_243 : vector<16xf32>
        %add3A_250 = arith.addf %add3A_226, %mul3A_249 : vector<16xf32>
        %add3A_251 = arith.addf %add3A_227, %select_n3A_248 : vector<16xf32>
        %get3A_252 = arith.index_cast %scan3A_177 : i32 to index
        %get3A_253 = arith.constant 96 : index
        %get3A_254 = tpu.vector_load %arg6[%get3A_252, %get3A_253] {strides = array<i32>} : memref<40x128xf32, #tpu.memory_space<vmem>>, vector<1x16xf32>,
        %get3A_255 = vector.shape_cast %get3A_254 : vector<1x16xf32> to vector<16xf32>
        %eq3A_256 = vector.broadcast %add3A_182 : i32 to vector<16xi32>
        %eq3A_257 = arith.cmpi eq, %get3A_43, %eq3A_256 : vector<16xi32>
        %jit3A_258 = arith.constant 0.000000e+00 : f32
        %broadcast_in_dim3A_259 = vector.broadcast %jit3A_258 : f32 to vector<16xf32>
        %select_n3A_260 = arith.select %eq3A_257, %get3A_255, %broadcast_in_dim3A_259 : vector<16xi1>, vector<16xf32>
        %mul3A_261 = arith.mulf %get3A_255, %get3A_255 : vector<16xf32>
        %add3A_262 = arith.addf %add3A_238, %mul3A_261 : vector<16xf32>
        %add3A_263 = arith.addf %add3A_239, %select_n3A_260 : vector<16xf32>
        %get3A_264 = arith.index_cast %scan3A_177 : i32 to index
        %get3A_265 = arith.constant 112 : index
        %get3A_266 = tpu.vector_load %arg6[%get3A_264, %get3A_265] {strides = array<i32>} : memref<40x128xf32, #tpu.memory_space<vmem>>, vector<1x16xf32>,
        %get3A_267 = vector.shape_cast %get3A_266 : vector<1x16xf32> to vector<16xf32>
        %eq3A_268 = vector.broadcast %add3A_182 : i32 to vector<16xi32>
        %eq3A_269 = arith.cmpi eq, %get3A_46, %eq3A_268 : vector<16xi32>
        %jit3A_270 = arith.constant 0.000000e+00 : f32
        %broadcast_in_dim3A_271 = vector.broadcast %jit3A_270 : f32 to vector<16xf32>
        %select_n3A_272 = arith.select %eq3A_269, %get3A_267, %broadcast_in_dim3A_271 : vector<16xi1>, vector<16xf32>
        %mul3A_273 = arith.mulf %get3A_267, %get3A_267 : vector<16xf32>
        %add3A_274 = arith.addf %add3A_250, %mul3A_273 : vector<16xf32>
        %add3A_275 = arith.addf %add3A_251, %select_n3A_272 : vector<16xf32>
        scf.yield %add3A_262, %add3A_274, %add3A_263, %add3A_275 : vector<16xf32>, vector<16xf32>, vector<16xf32>, vector<16xf32>
      }
      %scan3A_100 = arith.constant 40 : i32
      %add3A_101 = arith.constant 5 : i32
      %add3A_102 = arith.addi %add3A_88, %add3A_101 : i32
      %lt3A_103 = arith.constant 25 : i32
      %lt3A_104 = arith.cmpi slt, %add3A_102, %lt3A_103 : i32
      %convert_element_type3A_105 = arith.extui %lt3A_104 : i1 to i32
      %cond3A_106 = arith.constant 0 : i32
      %cond3A_107 = arith.cmpi ne, %convert_element_type3A_105, %cond3A_106 : i32
      scf.if %cond3A_107 {
        %add3A_177 = arith.constant 5 : i32
        %add3A_178 = arith.addi %add3A_88, %add3A_177 : i32
        %mul3A_179 = arith.constant 40 : i32
        %mul3A_180 = arith.muli %add3A_178, %mul3A_179 : i32
        %dma_start3A_181 = tpu.memref_slice %arg2[%mul3A_180, %add3A_4] : memref<1000x16384xf32, #tpu.memory_space<hbm>> -> memref<40x128xf32, #tpu.memory_space<hbm>>
        %dma_start3A_182 = tpu.memref_slice %arg2[%mul3A_180, %add3A_4] : memref<1000x16384xf32, #tpu.memory_space<hbm>> -> memref<40x128xf32, #tpu.memory_space<hbm>>
        tpu.enqueue_dma source(%dma_start3A_182 : memref<40x128xf32, #tpu.memory_space<hbm>>) target(%arg6 : memref<40x128xf32, #tpu.memory_space<vmem>>) target_semaphore(%arg13 : memref<!tpu.dma_semaphore, #tpu.memory_space<semaphore_mem>>)
      } else {
      }
      %mul3A_108 = arith.constant 5 : i32
      %mul3A_109 = arith.muli %scan3A_61, %mul3A_108 : i32
      %add3A_110 = arith.constant 2 : i32
      %add3A_111 = arith.addi %mul3A_109, %add3A_110 : i32
      %mul3A_112 = arith.constant 40 : i32
      %mul3A_113 = arith.muli %add3A_111, %mul3A_112 : i32
      %dma_wait3A_114 = tpu.memref_slice %arg2[%mul3A_113, %add3A_4] : memref<1000x16384xf32, #tpu.memory_space<hbm>> -> memref<40x128xf32, #tpu.memory_space<hbm>>
      %dma_wait3A_115 = tpu.memref_slice %arg2[%mul3A_113, %add3A_4] : memref<1000x16384xf32, #tpu.memory_space<hbm>> -> memref<40x128xf32, #tpu.memory_space<hbm>>
      tpu.wait_dma2 semaphore(%arg14 : memref<!tpu.dma_semaphore, #tpu.memory_space<semaphore_mem>>) src(%dma_wait3A_115 : memref<40x128xf32, #tpu.memory_space<hbm>>) dst(%arg7 : memref<40x128xf32, #tpu.memory_space<vmem>>)
      %mul3A_116 = arith.constant 40 : i32
      %mul3A_117 = arith.muli %add3A_111, %mul3A_116 : i32
      %scan3A_118 = arith.constant 0 : i32
      %scan3A_119 = arith.constant 40 : i32
      %scan3A_120 = arith.addi %scan3A_118, %scan3A_119 : i32
      %scan3A_121 = arith.constant 1 : i32
      %scan3A_122:4 = scf.for %scan3A_177 = %scan3A_118 to %scan3A_120 step %scan3A_121 iter_args(%scan3A_178 = %scan3A_99#0, %scan3A_179 = %scan3A_99#1, %scan3A_180 = %scan3A_99#2, %scan3A_181 = %scan3A_99#3) -> (vector<16xf32>, vector<16xf32>, vector<16xf32>, vector<16xf32>)  : i32 {
        %add3A_182 = arith.addi %mul3A_117, %scan3A_177 : i32
        %get3A_183 = arith.index_cast %scan3A_177 : i32 to index
        %get3A_184 = arith.constant 0 : index
        %get3A_185 = tpu.vector_load %arg7[%get3A_183, %get3A_184] {strides = array<i32>} : memref<40x128xf32, #tpu.memory_space<vmem>>, vector<1x16xf32>,
        %get3A_186 = vector.shape_cast %get3A_185 : vector<1x16xf32> to vector<16xf32>
        %eq3A = vector.broadcast %add3A_182 : i32 to vector<16xi32>
        %eq3A_187 = arith.cmpi eq, %get3A_25, %eq3A : vector<16xi32>
        %jit3A = arith.constant 0.000000e+00 : f32
        %broadcast_in_dim3A_188 = vector.broadcast %jit3A : f32 to vector<16xf32>
        %select_n3A = arith.select %eq3A_187, %get3A_186, %broadcast_in_dim3A_188 : vector<16xi1>, vector<16xf32>
        %mul3A_189 = arith.mulf %get3A_186, %get3A_186 : vector<16xf32>
        %add3A_190 = arith.addf %scan3A_178, %mul3A_189 : vector<16xf32>
        %add3A_191 = arith.addf %scan3A_180, %select_n3A : vector<16xf32>
        %get3A_192 = arith.index_cast %scan3A_177 : i32 to index
        %get3A_193 = arith.constant 16 : index
        %get3A_194 = tpu.vector_load %arg7[%get3A_192, %get3A_193] {strides = array<i32>} : memref<40x128xf32, #tpu.memory_space<vmem>>, vector<1x16xf32>,
        %get3A_195 = vector.shape_cast %get3A_194 : vector<1x16xf32> to vector<16xf32>
        %eq3A_196 = vector.broadcast %add3A_182 : i32 to vector<16xi32>
        %eq3A_197 = arith.cmpi eq, %get3A_28, %eq3A_196 : vector<16xi32>
        %jit3A_198 = arith.constant 0.000000e+00 : f32
        %broadcast_in_dim3A_199 = vector.broadcast %jit3A_198 : f32 to vector<16xf32>
        %select_n3A_200 = arith.select %eq3A_197, %get3A_195, %broadcast_in_dim3A_199 : vector<16xi1>, vector<16xf32>
        %mul3A_201 = arith.mulf %get3A_195, %get3A_195 : vector<16xf32>
        %add3A_202 = arith.addf %scan3A_179, %mul3A_201 : vector<16xf32>
        %add3A_203 = arith.addf %scan3A_181, %select_n3A_200 : vector<16xf32>
        %get3A_204 = arith.index_cast %scan3A_177 : i32 to index
        %get3A_205 = arith.constant 32 : index
        %get3A_206 = tpu.vector_load %arg7[%get3A_204, %get3A_205] {strides = array<i32>} : memref<40x128xf32, #tpu.memory_space<vmem>>, vector<1x16xf32>,
        %get3A_207 = vector.shape_cast %get3A_206 : vector<1x16xf32> to vector<16xf32>
        %eq3A_208 = vector.broadcast %add3A_182 : i32 to vector<16xi32>
        %eq3A_209 = arith.cmpi eq, %get3A_31, %eq3A_208 : vector<16xi32>
        %jit3A_210 = arith.constant 0.000000e+00 : f32
        %broadcast_in_dim3A_211 = vector.broadcast %jit3A_210 : f32 to vector<16xf32>
        %select_n3A_212 = arith.select %eq3A_209, %get3A_207, %broadcast_in_dim3A_211 : vector<16xi1>, vector<16xf32>
        %mul3A_213 = arith.mulf %get3A_207, %get3A_207 : vector<16xf32>
        %add3A_214 = arith.addf %add3A_190, %mul3A_213 : vector<16xf32>
        %add3A_215 = arith.addf %add3A_191, %select_n3A_212 : vector<16xf32>
        %get3A_216 = arith.index_cast %scan3A_177 : i32 to index
        %get3A_217 = arith.constant 48 : index
        %get3A_218 = tpu.vector_load %arg7[%get3A_216, %get3A_217] {strides = array<i32>} : memref<40x128xf32, #tpu.memory_space<vmem>>, vector<1x16xf32>,
        %get3A_219 = vector.shape_cast %get3A_218 : vector<1x16xf32> to vector<16xf32>
        %eq3A_220 = vector.broadcast %add3A_182 : i32 to vector<16xi32>
        %eq3A_221 = arith.cmpi eq, %get3A_34, %eq3A_220 : vector<16xi32>
        %jit3A_222 = arith.constant 0.000000e+00 : f32
        %broadcast_in_dim3A_223 = vector.broadcast %jit3A_222 : f32 to vector<16xf32>
        %select_n3A_224 = arith.select %eq3A_221, %get3A_219, %broadcast_in_dim3A_223 : vector<16xi1>, vector<16xf32>
        %mul3A_225 = arith.mulf %get3A_219, %get3A_219 : vector<16xf32>
        %add3A_226 = arith.addf %add3A_202, %mul3A_225 : vector<16xf32>
        %add3A_227 = arith.addf %add3A_203, %select_n3A_224 : vector<16xf32>
        %get3A_228 = arith.index_cast %scan3A_177 : i32 to index
        %get3A_229 = arith.constant 64 : index
        %get3A_230 = tpu.vector_load %arg7[%get3A_228, %get3A_229] {strides = array<i32>} : memref<40x128xf32, #tpu.memory_space<vmem>>, vector<1x16xf32>,
        %get3A_231 = vector.shape_cast %get3A_230 : vector<1x16xf32> to vector<16xf32>
        %eq3A_232 = vector.broadcast %add3A_182 : i32 to vector<16xi32>
        %eq3A_233 = arith.cmpi eq, %get3A_37, %eq3A_232 : vector<16xi32>
        %jit3A_234 = arith.constant 0.000000e+00 : f32
        %broadcast_in_dim3A_235 = vector.broadcast %jit3A_234 : f32 to vector<16xf32>
        %select_n3A_236 = arith.select %eq3A_233, %get3A_231, %broadcast_in_dim3A_235 : vector<16xi1>, vector<16xf32>
        %mul3A_237 = arith.mulf %get3A_231, %get3A_231 : vector<16xf32>
        %add3A_238 = arith.addf %add3A_214, %mul3A_237 : vector<16xf32>
        %add3A_239 = arith.addf %add3A_215, %select_n3A_236 : vector<16xf32>
        %get3A_240 = arith.index_cast %scan3A_177 : i32 to index
        %get3A_241 = arith.constant 80 : index
        %get3A_242 = tpu.vector_load %arg7[%get3A_240, %get3A_241] {strides = array<i32>} : memref<40x128xf32, #tpu.memory_space<vmem>>, vector<1x16xf32>,
        %get3A_243 = vector.shape_cast %get3A_242 : vector<1x16xf32> to vector<16xf32>
        %eq3A_244 = vector.broadcast %add3A_182 : i32 to vector<16xi32>
        %eq3A_245 = arith.cmpi eq, %get3A_40, %eq3A_244 : vector<16xi32>
        %jit3A_246 = arith.constant 0.000000e+00 : f32
        %broadcast_in_dim3A_247 = vector.broadcast %jit3A_246 : f32 to vector<16xf32>
        %select_n3A_248 = arith.select %eq3A_245, %get3A_243, %broadcast_in_dim3A_247 : vector<16xi1>, vector<16xf32>
        %mul3A_249 = arith.mulf %get3A_243, %get3A_243 : vector<16xf32>
        %add3A_250 = arith.addf %add3A_226, %mul3A_249 : vector<16xf32>
        %add3A_251 = arith.addf %add3A_227, %select_n3A_248 : vector<16xf32>
        %get3A_252 = arith.index_cast %scan3A_177 : i32 to index
        %get3A_253 = arith.constant 96 : index
        %get3A_254 = tpu.vector_load %arg7[%get3A_252, %get3A_253] {strides = array<i32>} : memref<40x128xf32, #tpu.memory_space<vmem>>, vector<1x16xf32>,
        %get3A_255 = vector.shape_cast %get3A_254 : vector<1x16xf32> to vector<16xf32>
        %eq3A_256 = vector.broadcast %add3A_182 : i32 to vector<16xi32>
        %eq3A_257 = arith.cmpi eq, %get3A_43, %eq3A_256 : vector<16xi32>
        %jit3A_258 = arith.constant 0.000000e+00 : f32
        %broadcast_in_dim3A_259 = vector.broadcast %jit3A_258 : f32 to vector<16xf32>
        %select_n3A_260 = arith.select %eq3A_257, %get3A_255, %broadcast_in_dim3A_259 : vector<16xi1>, vector<16xf32>
        %mul3A_261 = arith.mulf %get3A_255, %get3A_255 : vector<16xf32>
        %add3A_262 = arith.addf %add3A_238, %mul3A_261 : vector<16xf32>
        %add3A_263 = arith.addf %add3A_239, %select_n3A_260 : vector<16xf32>
        %get3A_264 = arith.index_cast %scan3A_177 : i32 to index
        %get3A_265 = arith.constant 112 : index
        %get3A_266 = tpu.vector_load %arg7[%get3A_264, %get3A_265] {strides = array<i32>} : memref<40x128xf32, #tpu.memory_space<vmem>>, vector<1x16xf32>,
        %get3A_267 = vector.shape_cast %get3A_266 : vector<1x16xf32> to vector<16xf32>
        %eq3A_268 = vector.broadcast %add3A_182 : i32 to vector<16xi32>
        %eq3A_269 = arith.cmpi eq, %get3A_46, %eq3A_268 : vector<16xi32>
        %jit3A_270 = arith.constant 0.000000e+00 : f32
        %broadcast_in_dim3A_271 = vector.broadcast %jit3A_270 : f32 to vector<16xf32>
        %select_n3A_272 = arith.select %eq3A_269, %get3A_267, %broadcast_in_dim3A_271 : vector<16xi1>, vector<16xf32>
        %mul3A_273 = arith.mulf %get3A_267, %get3A_267 : vector<16xf32>
        %add3A_274 = arith.addf %add3A_250, %mul3A_273 : vector<16xf32>
        %add3A_275 = arith.addf %add3A_251, %select_n3A_272 : vector<16xf32>
        scf.yield %add3A_262, %add3A_274, %add3A_263, %add3A_275 : vector<16xf32>, vector<16xf32>, vector<16xf32>, vector<16xf32>
      }
      %scan3A_123 = arith.constant 40 : i32
      %add3A_124 = arith.constant 5 : i32
      %add3A_125 = arith.addi %add3A_111, %add3A_124 : i32
      %lt3A_126 = arith.constant 25 : i32
      %lt3A_127 = arith.cmpi slt, %add3A_125, %lt3A_126 : i32
      %convert_element_type3A_128 = arith.extui %lt3A_127 : i1 to i32
      %cond3A_129 = arith.constant 0 : i32
      %cond3A_130 = arith.cmpi ne, %convert_element_type3A_128, %cond3A_129 : i32
      scf.if %cond3A_130 {
        %add3A_177 = arith.constant 5 : i32
        %add3A_178 = arith.addi %add3A_111, %add3A_177 : i32
        %mul3A_179 = arith.constant 40 : i32
        %mul3A_180 = arith.muli %add3A_178, %mul3A_179 : i32
        %dma_start3A_181 = tpu.memref_slice %arg2[%mul3A_180, %add3A_4] : memref<1000x16384xf32, #tpu.memory_space<hbm>> -> memref<40x128xf32, #tpu.memory_space<hbm>>
        %dma_start3A_182 = tpu.memref_slice %arg2[%mul3A_180, %add3A_4] : memref<1000x16384xf32, #tpu.memory_space<hbm>> -> memref<40x128xf32, #tpu.memory_space<hbm>>
        tpu.enqueue_dma source(%dma_start3A_182 : memref<40x128xf32, #tpu.memory_space<hbm>>) target(%arg7 : memref<40x128xf32, #tpu.memory_space<vmem>>) target_semaphore(%arg14 : memref<!tpu.dma_semaphore, #tpu.memory_space<semaphore_mem>>)
      } else {
      }
      %mul3A_131 = arith.constant 5 : i32
      %mul3A_132 = arith.muli %scan3A_61, %mul3A_131 : i32
      %add3A_133 = arith.constant 3 : i32
      %add3A_134 = arith.addi %mul3A_132, %add3A_133 : i32
      %mul3A_135 = arith.constant 40 : i32
      %mul3A_136 = arith.muli %add3A_134, %mul3A_135 : i32
      %dma_wait3A_137 = tpu.memref_slice %arg2[%mul3A_136, %add3A_4] : memref<1000x16384xf32, #tpu.memory_space<hbm>> -> memref<40x128xf32, #tpu.memory_space<hbm>>
      %dma_wait3A_138 = tpu.memref_slice %arg2[%mul3A_136, %add3A_4] : memref<1000x16384xf32, #tpu.memory_space<hbm>> -> memref<40x128xf32, #tpu.memory_space<hbm>>
      tpu.wait_dma2 semaphore(%arg15 : memref<!tpu.dma_semaphore, #tpu.memory_space<semaphore_mem>>) src(%dma_wait3A_138 : memref<40x128xf32, #tpu.memory_space<hbm>>) dst(%arg8 : memref<40x128xf32, #tpu.memory_space<vmem>>)
      %mul3A_139 = arith.constant 40 : i32
      %mul3A_140 = arith.muli %add3A_134, %mul3A_139 : i32
      %scan3A_141 = arith.constant 0 : i32
      %scan3A_142 = arith.constant 40 : i32
      %scan3A_143 = arith.addi %scan3A_141, %scan3A_142 : i32
      %scan3A_144 = arith.constant 1 : i32
      %scan3A_145:4 = scf.for %scan3A_177 = %scan3A_141 to %scan3A_143 step %scan3A_144 iter_args(%scan3A_178 = %scan3A_122#0, %scan3A_179 = %scan3A_122#1, %scan3A_180 = %scan3A_122#2, %scan3A_181 = %scan3A_122#3) -> (vector<16xf32>, vector<16xf32>, vector<16xf32>, vector<16xf32>)  : i32 {
        %add3A_182 = arith.addi %mul3A_140, %scan3A_177 : i32
        %get3A_183 = arith.index_cast %scan3A_177 : i32 to index
        %get3A_184 = arith.constant 0 : index
        %get3A_185 = tpu.vector_load %arg8[%get3A_183, %get3A_184] {strides = array<i32>} : memref<40x128xf32, #tpu.memory_space<vmem>>, vector<1x16xf32>,
        %get3A_186 = vector.shape_cast %get3A_185 : vector<1x16xf32> to vector<16xf32>
        %eq3A = vector.broadcast %add3A_182 : i32 to vector<16xi32>
        %eq3A_187 = arith.cmpi eq, %get3A_25, %eq3A : vector<16xi32>
        %jit3A = arith.constant 0.000000e+00 : f32
        %broadcast_in_dim3A_188 = vector.broadcast %jit3A : f32 to vector<16xf32>
        %select_n3A = arith.select %eq3A_187, %get3A_186, %broadcast_in_dim3A_188 : vector<16xi1>, vector<16xf32>
        %mul3A_189 = arith.mulf %get3A_186, %get3A_186 : vector<16xf32>
        %add3A_190 = arith.addf %scan3A_178, %mul3A_189 : vector<16xf32>
        %add3A_191 = arith.addf %scan3A_180, %select_n3A : vector<16xf32>
        %get3A_192 = arith.index_cast %scan3A_177 : i32 to index
        %get3A_193 = arith.constant 16 : index
        %get3A_194 = tpu.vector_load %arg8[%get3A_192, %get3A_193] {strides = array<i32>} : memref<40x128xf32, #tpu.memory_space<vmem>>, vector<1x16xf32>,
        %get3A_195 = vector.shape_cast %get3A_194 : vector<1x16xf32> to vector<16xf32>
        %eq3A_196 = vector.broadcast %add3A_182 : i32 to vector<16xi32>
        %eq3A_197 = arith.cmpi eq, %get3A_28, %eq3A_196 : vector<16xi32>
        %jit3A_198 = arith.constant 0.000000e+00 : f32
        %broadcast_in_dim3A_199 = vector.broadcast %jit3A_198 : f32 to vector<16xf32>
        %select_n3A_200 = arith.select %eq3A_197, %get3A_195, %broadcast_in_dim3A_199 : vector<16xi1>, vector<16xf32>
        %mul3A_201 = arith.mulf %get3A_195, %get3A_195 : vector<16xf32>
        %add3A_202 = arith.addf %scan3A_179, %mul3A_201 : vector<16xf32>
        %add3A_203 = arith.addf %scan3A_181, %select_n3A_200 : vector<16xf32>
        %get3A_204 = arith.index_cast %scan3A_177 : i32 to index
        %get3A_205 = arith.constant 32 : index
        %get3A_206 = tpu.vector_load %arg8[%get3A_204, %get3A_205] {strides = array<i32>} : memref<40x128xf32, #tpu.memory_space<vmem>>, vector<1x16xf32>,
        %get3A_207 = vector.shape_cast %get3A_206 : vector<1x16xf32> to vector<16xf32>
        %eq3A_208 = vector.broadcast %add3A_182 : i32 to vector<16xi32>
        %eq3A_209 = arith.cmpi eq, %get3A_31, %eq3A_208 : vector<16xi32>
        %jit3A_210 = arith.constant 0.000000e+00 : f32
        %broadcast_in_dim3A_211 = vector.broadcast %jit3A_210 : f32 to vector<16xf32>
        %select_n3A_212 = arith.select %eq3A_209, %get3A_207, %broadcast_in_dim3A_211 : vector<16xi1>, vector<16xf32>
        %mul3A_213 = arith.mulf %get3A_207, %get3A_207 : vector<16xf32>
        %add3A_214 = arith.addf %add3A_190, %mul3A_213 : vector<16xf32>
        %add3A_215 = arith.addf %add3A_191, %select_n3A_212 : vector<16xf32>
        %get3A_216 = arith.index_cast %scan3A_177 : i32 to index
        %get3A_217 = arith.constant 48 : index
        %get3A_218 = tpu.vector_load %arg8[%get3A_216, %get3A_217] {strides = array<i32>} : memref<40x128xf32, #tpu.memory_space<vmem>>, vector<1x16xf32>,
        %get3A_219 = vector.shape_cast %get3A_218 : vector<1x16xf32> to vector<16xf32>
        %eq3A_220 = vector.broadcast %add3A_182 : i32 to vector<16xi32>
        %eq3A_221 = arith.cmpi eq, %get3A_34, %eq3A_220 : vector<16xi32>
        %jit3A_222 = arith.constant 0.000000e+00 : f32
        %broadcast_in_dim3A_223 = vector.broadcast %jit3A_222 : f32 to vector<16xf32>
        %select_n3A_224 = arith.select %eq3A_221, %get3A_219, %broadcast_in_dim3A_223 : vector<16xi1>, vector<16xf32>
        %mul3A_225 = arith.mulf %get3A_219, %get3A_219 : vector<16xf32>
        %add3A_226 = arith.addf %add3A_202, %mul3A_225 : vector<16xf32>
        %add3A_227 = arith.addf %add3A_203, %select_n3A_224 : vector<16xf32>
        %get3A_228 = arith.index_cast %scan3A_177 : i32 to index
        %get3A_229 = arith.constant 64 : index
        %get3A_230 = tpu.vector_load %arg8[%get3A_228, %get3A_229] {strides = array<i32>} : memref<40x128xf32, #tpu.memory_space<vmem>>, vector<1x16xf32>,
        %get3A_231 = vector.shape_cast %get3A_230 : vector<1x16xf32> to vector<16xf32>
        %eq3A_232 = vector.broadcast %add3A_182 : i32 to vector<16xi32>
        %eq3A_233 = arith.cmpi eq, %get3A_37, %eq3A_232 : vector<16xi32>
        %jit3A_234 = arith.constant 0.000000e+00 : f32
        %broadcast_in_dim3A_235 = vector.broadcast %jit3A_234 : f32 to vector<16xf32>
        %select_n3A_236 = arith.select %eq3A_233, %get3A_231, %broadcast_in_dim3A_235 : vector<16xi1>, vector<16xf32>
        %mul3A_237 = arith.mulf %get3A_231, %get3A_231 : vector<16xf32>
        %add3A_238 = arith.addf %add3A_214, %mul3A_237 : vector<16xf32>
        %add3A_239 = arith.addf %add3A_215, %select_n3A_236 : vector<16xf32>
        %get3A_240 = arith.index_cast %scan3A_177 : i32 to index
        %get3A_241 = arith.constant 80 : index
        %get3A_242 = tpu.vector_load %arg8[%get3A_240, %get3A_241] {strides = array<i32>} : memref<40x128xf32, #tpu.memory_space<vmem>>, vector<1x16xf32>,
        %get3A_243 = vector.shape_cast %get3A_242 : vector<1x16xf32> to vector<16xf32>
        %eq3A_244 = vector.broadcast %add3A_182 : i32 to vector<16xi32>
        %eq3A_245 = arith.cmpi eq, %get3A_40, %eq3A_244 : vector<16xi32>
        %jit3A_246 = arith.constant 0.000000e+00 : f32
        %broadcast_in_dim3A_247 = vector.broadcast %jit3A_246 : f32 to vector<16xf32>
        %select_n3A_248 = arith.select %eq3A_245, %get3A_243, %broadcast_in_dim3A_247 : vector<16xi1>, vector<16xf32>
        %mul3A_249 = arith.mulf %get3A_243, %get3A_243 : vector<16xf32>
        %add3A_250 = arith.addf %add3A_226, %mul3A_249 : vector<16xf32>
        %add3A_251 = arith.addf %add3A_227, %select_n3A_248 : vector<16xf32>
        %get3A_252 = arith.index_cast %scan3A_177 : i32 to index
        %get3A_253 = arith.constant 96 : index
        %get3A_254 = tpu.vector_load %arg8[%get3A_252, %get3A_253] {strides = array<i32>} : memref<40x128xf32, #tpu.memory_space<vmem>>, vector<1x16xf32>,
        %get3A_255 = vector.shape_cast %get3A_254 : vector<1x16xf32> to vector<16xf32>
        %eq3A_256 = vector.broadcast %add3A_182 : i32 to vector<16xi32>
        %eq3A_257 = arith.cmpi eq, %get3A_43, %eq3A_256 : vector<16xi32>
        %jit3A_258 = arith.constant 0.000000e+00 : f32
        %broadcast_in_dim3A_259 = vector.broadcast %jit3A_258 : f32 to vector<16xf32>
        %select_n3A_260 = arith.select %eq3A_257, %get3A_255, %broadcast_in_dim3A_259 : vector<16xi1>, vector<16xf32>
        %mul3A_261 = arith.mulf %get3A_255, %get3A_255 : vector<16xf32>
        %add3A_262 = arith.addf %add3A_238, %mul3A_261 : vector<16xf32>
        %add3A_263 = arith.addf %add3A_239, %select_n3A_260 : vector<16xf32>
        %get3A_264 = arith.index_cast %scan3A_177 : i32 to index
        %get3A_265 = arith.constant 112 : index
        %get3A_266 = tpu.vector_load %arg8[%get3A_264, %get3A_265] {strides = array<i32>} : memref<40x128xf32, #tpu.memory_space<vmem>>, vector<1x16xf32>,
        %get3A_267 = vector.shape_cast %get3A_266 : vector<1x16xf32> to vector<16xf32>
        %eq3A_268 = vector.broadcast %add3A_182 : i32 to vector<16xi32>
        %eq3A_269 = arith.cmpi eq, %get3A_46, %eq3A_268 : vector<16xi32>
        %jit3A_270 = arith.constant 0.000000e+00 : f32
        %broadcast_in_dim3A_271 = vector.broadcast %jit3A_270 : f32 to vector<16xf32>
        %select_n3A_272 = arith.select %eq3A_269, %get3A_267, %broadcast_in_dim3A_271 : vector<16xi1>, vector<16xf32>
        %mul3A_273 = arith.mulf %get3A_267, %get3A_267 : vector<16xf32>
        %add3A_274 = arith.addf %add3A_250, %mul3A_273 : vector<16xf32>
        %add3A_275 = arith.addf %add3A_251, %select_n3A_272 : vector<16xf32>
        scf.yield %add3A_262, %add3A_274, %add3A_263, %add3A_275 : vector<16xf32>, vector<16xf32>, vector<16xf32>, vector<16xf32>
      }
      %scan3A_146 = arith.constant 40 : i32
      %add3A_147 = arith.constant 5 : i32
      %add3A_148 = arith.addi %add3A_134, %add3A_147 : i32
      %lt3A_149 = arith.constant 25 : i32
      %lt3A_150 = arith.cmpi slt, %add3A_148, %lt3A_149 : i32
      %convert_element_type3A_151 = arith.extui %lt3A_150 : i1 to i32
      %cond3A_152 = arith.constant 0 : i32
      %cond3A_153 = arith.cmpi ne, %convert_element_type3A_151, %cond3A_152 : i32
      scf.if %cond3A_153 {
        %add3A_177 = arith.constant 5 : i32
        %add3A_178 = arith.addi %add3A_134, %add3A_177 : i32
        %mul3A_179 = arith.constant 40 : i32
        %mul3A_180 = arith.muli %add3A_178, %mul3A_179 : i32
        %dma_start3A_181 = tpu.memref_slice %arg2[%mul3A_180, %add3A_4] : memref<1000x16384xf32, #tpu.memory_space<hbm>> -> memref<40x128xf32, #tpu.memory_space<hbm>>
        %dma_start3A_182 = tpu.memref_slice %arg2[%mul3A_180, %add3A_4] : memref<1000x16384xf32, #tpu.memory_space<hbm>> -> memref<40x128xf32, #tpu.memory_space<hbm>>
        tpu.enqueue_dma source(%dma_start3A_182 : memref<40x128xf32, #tpu.memory_space<hbm>>) target(%arg8 : memref<40x128xf32, #tpu.memory_space<vmem>>) target_semaphore(%arg15 : memref<!tpu.dma_semaphore, #tpu.memory_space<semaphore_mem>>)
      } else {
      }
      %mul3A_154 = arith.constant 5 : i32
      %mul3A_155 = arith.muli %scan3A_61, %mul3A_154 : i32
      %add3A_156 = arith.constant 4 : i32
      %add3A_157 = arith.addi %mul3A_155, %add3A_156 : i32
      %mul3A_158 = arith.constant 40 : i32
      %mul3A_159 = arith.muli %add3A_157, %mul3A_158 : i32
      %dma_wait3A_160 = tpu.memref_slice %arg2[%mul3A_159, %add3A_4] : memref<1000x16384xf32, #tpu.memory_space<hbm>> -> memref<40x128xf32, #tpu.memory_space<hbm>>
      %dma_wait3A_161 = tpu.memref_slice %arg2[%mul3A_159, %add3A_4] : memref<1000x16384xf32, #tpu.memory_space<hbm>> -> memref<40x128xf32, #tpu.memory_space<hbm>>
      tpu.wait_dma2 semaphore(%arg16 : memref<!tpu.dma_semaphore, #tpu.memory_space<semaphore_mem>>) src(%dma_wait3A_161 : memref<40x128xf32, #tpu.memory_space<hbm>>) dst(%arg9 : memref<40x128xf32, #tpu.memory_space<vmem>>)
      %mul3A_162 = arith.constant 40 : i32
      %mul3A_163 = arith.muli %add3A_157, %mul3A_162 : i32
      %scan3A_164 = arith.constant 0 : i32
      %scan3A_165 = arith.constant 40 : i32
      %scan3A_166 = arith.addi %scan3A_164, %scan3A_165 : i32
      %scan3A_167 = arith.constant 1 : i32
      %scan3A_168:4 = scf.for %scan3A_177 = %scan3A_164 to %scan3A_166 step %scan3A_167 iter_args(%scan3A_178 = %scan3A_145#0, %scan3A_179 = %scan3A_145#1, %scan3A_180 = %scan3A_145#2, %scan3A_181 = %scan3A_145#3) -> (vector<16xf32>, vector<16xf32>, vector<16xf32>, vector<16xf32>)  : i32 {
        %add3A_182 = arith.addi %mul3A_163, %scan3A_177 : i32
        %get3A_183 = arith.index_cast %scan3A_177 : i32 to index
        %get3A_184 = arith.constant 0 : index
        %get3A_185 = tpu.vector_load %arg9[%get3A_183, %get3A_184] {strides = array<i32>} : memref<40x128xf32, #tpu.memory_space<vmem>>, vector<1x16xf32>,
        %get3A_186 = vector.shape_cast %get3A_185 : vector<1x16xf32> to vector<16xf32>
        %eq3A = vector.broadcast %add3A_182 : i32 to vector<16xi32>
        %eq3A_187 = arith.cmpi eq, %get3A_25, %eq3A : vector<16xi32>
        %jit3A = arith.constant 0.000000e+00 : f32
        %broadcast_in_dim3A_188 = vector.broadcast %jit3A : f32 to vector<16xf32>
        %select_n3A = arith.select %eq3A_187, %get3A_186, %broadcast_in_dim3A_188 : vector<16xi1>, vector<16xf32>
        %mul3A_189 = arith.mulf %get3A_186, %get3A_186 : vector<16xf32>
        %add3A_190 = arith.addf %scan3A_178, %mul3A_189 : vector<16xf32>
        %add3A_191 = arith.addf %scan3A_180, %select_n3A : vector<16xf32>
        %get3A_192 = arith.index_cast %scan3A_177 : i32 to index
        %get3A_193 = arith.constant 16 : index
        %get3A_194 = tpu.vector_load %arg9[%get3A_192, %get3A_193] {strides = array<i32>} : memref<40x128xf32, #tpu.memory_space<vmem>>, vector<1x16xf32>,
        %get3A_195 = vector.shape_cast %get3A_194 : vector<1x16xf32> to vector<16xf32>
        %eq3A_196 = vector.broadcast %add3A_182 : i32 to vector<16xi32>
        %eq3A_197 = arith.cmpi eq, %get3A_28, %eq3A_196 : vector<16xi32>
        %jit3A_198 = arith.constant 0.000000e+00 : f32
        %broadcast_in_dim3A_199 = vector.broadcast %jit3A_198 : f32 to vector<16xf32>
        %select_n3A_200 = arith.select %eq3A_197, %get3A_195, %broadcast_in_dim3A_199 : vector<16xi1>, vector<16xf32>
        %mul3A_201 = arith.mulf %get3A_195, %get3A_195 : vector<16xf32>
        %add3A_202 = arith.addf %scan3A_179, %mul3A_201 : vector<16xf32>
        %add3A_203 = arith.addf %scan3A_181, %select_n3A_200 : vector<16xf32>
        %get3A_204 = arith.index_cast %scan3A_177 : i32 to index
        %get3A_205 = arith.constant 32 : index
        %get3A_206 = tpu.vector_load %arg9[%get3A_204, %get3A_205] {strides = array<i32>} : memref<40x128xf32, #tpu.memory_space<vmem>>, vector<1x16xf32>,
        %get3A_207 = vector.shape_cast %get3A_206 : vector<1x16xf32> to vector<16xf32>
        %eq3A_208 = vector.broadcast %add3A_182 : i32 to vector<16xi32>
        %eq3A_209 = arith.cmpi eq, %get3A_31, %eq3A_208 : vector<16xi32>
        %jit3A_210 = arith.constant 0.000000e+00 : f32
        %broadcast_in_dim3A_211 = vector.broadcast %jit3A_210 : f32 to vector<16xf32>
        %select_n3A_212 = arith.select %eq3A_209, %get3A_207, %broadcast_in_dim3A_211 : vector<16xi1>, vector<16xf32>
        %mul3A_213 = arith.mulf %get3A_207, %get3A_207 : vector<16xf32>
        %add3A_214 = arith.addf %add3A_190, %mul3A_213 : vector<16xf32>
        %add3A_215 = arith.addf %add3A_191, %select_n3A_212 : vector<16xf32>
        %get3A_216 = arith.index_cast %scan3A_177 : i32 to index
        %get3A_217 = arith.constant 48 : index
        %get3A_218 = tpu.vector_load %arg9[%get3A_216, %get3A_217] {strides = array<i32>} : memref<40x128xf32, #tpu.memory_space<vmem>>, vector<1x16xf32>,
        %get3A_219 = vector.shape_cast %get3A_218 : vector<1x16xf32> to vector<16xf32>
        %eq3A_220 = vector.broadcast %add3A_182 : i32 to vector<16xi32>
        %eq3A_221 = arith.cmpi eq, %get3A_34, %eq3A_220 : vector<16xi32>
        %jit3A_222 = arith.constant 0.000000e+00 : f32
        %broadcast_in_dim3A_223 = vector.broadcast %jit3A_222 : f32 to vector<16xf32>
        %select_n3A_224 = arith.select %eq3A_221, %get3A_219, %broadcast_in_dim3A_223 : vector<16xi1>, vector<16xf32>
        %mul3A_225 = arith.mulf %get3A_219, %get3A_219 : vector<16xf32>
        %add3A_226 = arith.addf %add3A_202, %mul3A_225 : vector<16xf32>
        %add3A_227 = arith.addf %add3A_203, %select_n3A_224 : vector<16xf32>
        %get3A_228 = arith.index_cast %scan3A_177 : i32 to index
        %get3A_229 = arith.constant 64 : index
        %get3A_230 = tpu.vector_load %arg9[%get3A_228, %get3A_229] {strides = array<i32>} : memref<40x128xf32, #tpu.memory_space<vmem>>, vector<1x16xf32>,
        %get3A_231 = vector.shape_cast %get3A_230 : vector<1x16xf32> to vector<16xf32>
        %eq3A_232 = vector.broadcast %add3A_182 : i32 to vector<16xi32>
        %eq3A_233 = arith.cmpi eq, %get3A_37, %eq3A_232 : vector<16xi32>
        %jit3A_234 = arith.constant 0.000000e+00 : f32
        %broadcast_in_dim3A_235 = vector.broadcast %jit3A_234 : f32 to vector<16xf32>
        %select_n3A_236 = arith.select %eq3A_233, %get3A_231, %broadcast_in_dim3A_235 : vector<16xi1>, vector<16xf32>
        %mul3A_237 = arith.mulf %get3A_231, %get3A_231 : vector<16xf32>
        %add3A_238 = arith.addf %add3A_214, %mul3A_237 : vector<16xf32>
        %add3A_239 = arith.addf %add3A_215, %select_n3A_236 : vector<16xf32>
        %get3A_240 = arith.index_cast %scan3A_177 : i32 to index
        %get3A_241 = arith.constant 80 : index
        %get3A_242 = tpu.vector_load %arg9[%get3A_240, %get3A_241] {strides = array<i32>} : memref<40x128xf32, #tpu.memory_space<vmem>>, vector<1x16xf32>,
        %get3A_243 = vector.shape_cast %get3A_242 : vector<1x16xf32> to vector<16xf32>
        %eq3A_244 = vector.broadcast %add3A_182 : i32 to vector<16xi32>
        %eq3A_245 = arith.cmpi eq, %get3A_40, %eq3A_244 : vector<16xi32>
        %jit3A_246 = arith.constant 0.000000e+00 : f32
        %broadcast_in_dim3A_247 = vector.broadcast %jit3A_246 : f32 to vector<16xf32>
        %select_n3A_248 = arith.select %eq3A_245, %get3A_243, %broadcast_in_dim3A_247 : vector<16xi1>, vector<16xf32>
        %mul3A_249 = arith.mulf %get3A_243, %get3A_243 : vector<16xf32>
        %add3A_250 = arith.addf %add3A_226, %mul3A_249 : vector<16xf32>
        %add3A_251 = arith.addf %add3A_227, %select_n3A_248 : vector<16xf32>
        %get3A_252 = arith.index_cast %scan3A_177 : i32 to index
        %get3A_253 = arith.constant 96 : index
        %get3A_254 = tpu.vector_load %arg9[%get3A_252, %get3A_253] {strides = array<i32>} : memref<40x128xf32, #tpu.memory_space<vmem>>, vector<1x16xf32>,
        %get3A_255 = vector.shape_cast %get3A_254 : vector<1x16xf32> to vector<16xf32>
        %eq3A_256 = vector.broadcast %add3A_182 : i32 to vector<16xi32>
        %eq3A_257 = arith.cmpi eq, %get3A_43, %eq3A_256 : vector<16xi32>
        %jit3A_258 = arith.constant 0.000000e+00 : f32
        %broadcast_in_dim3A_259 = vector.broadcast %jit3A_258 : f32 to vector<16xf32>
        %select_n3A_260 = arith.select %eq3A_257, %get3A_255, %broadcast_in_dim3A_259 : vector<16xi1>, vector<16xf32>
        %mul3A_261 = arith.mulf %get3A_255, %get3A_255 : vector<16xf32>
        %add3A_262 = arith.addf %add3A_238, %mul3A_261 : vector<16xf32>
        %add3A_263 = arith.addf %add3A_239, %select_n3A_260 : vector<16xf32>
        %get3A_264 = arith.index_cast %scan3A_177 : i32 to index
        %get3A_265 = arith.constant 112 : index
        %get3A_266 = tpu.vector_load %arg9[%get3A_264, %get3A_265] {strides = array<i32>} : memref<40x128xf32, #tpu.memory_space<vmem>>, vector<1x16xf32>,
        %get3A_267 = vector.shape_cast %get3A_266 : vector<1x16xf32> to vector<16xf32>
        %eq3A_268 = vector.broadcast %add3A_182 : i32 to vector<16xi32>
        %eq3A_269 = arith.cmpi eq, %get3A_46, %eq3A_268 : vector<16xi32>
        %jit3A_270 = arith.constant 0.000000e+00 : f32
        %broadcast_in_dim3A_271 = vector.broadcast %jit3A_270 : f32 to vector<16xf32>
        %select_n3A_272 = arith.select %eq3A_269, %get3A_267, %broadcast_in_dim3A_271 : vector<16xi1>, vector<16xf32>
        %mul3A_273 = arith.mulf %get3A_267, %get3A_267 : vector<16xf32>
        %add3A_274 = arith.addf %add3A_250, %mul3A_273 : vector<16xf32>
        %add3A_275 = arith.addf %add3A_251, %select_n3A_272 : vector<16xf32>
        scf.yield %add3A_262, %add3A_274, %add3A_263, %add3A_275 : vector<16xf32>, vector<16xf32>, vector<16xf32>, vector<16xf32>
      }
      %scan3A_169 = arith.constant 40 : i32
      %add3A_170 = arith.constant 5 : i32
      %add3A_171 = arith.addi %add3A_157, %add3A_170 : i32
      %lt3A_172 = arith.constant 25 : i32
      %lt3A_173 = arith.cmpi slt, %add3A_171, %lt3A_172 : i32
      %convert_element_type3A_174 = arith.extui %lt3A_173 : i1 to i32
      %cond3A_175 = arith.constant 0 : i32
      %cond3A_176 = arith.cmpi ne, %convert_element_type3A_174, %cond3A_175 : i32
      scf.if %cond3A_176 {
        %add3A_177 = arith.constant 5 : i32
        %add3A_178 = arith.addi %add3A_157, %add3A_177 : i32
        %mul3A_179 = arith.constant 40 : i32
        %mul3A_180 = arith.muli %add3A_178, %mul3A_179 : i32
        %dma_start3A_181 = tpu.memref_slice %arg2[%mul3A_180, %add3A_4] : memref<1000x16384xf32, #tpu.memory_space<hbm>> -> memref<40x128xf32, #tpu.memory_space<hbm>>
        %dma_start3A_182 = tpu.memref_slice %arg2[%mul3A_180, %add3A_4] : memref<1000x16384xf32, #tpu.memory_space<hbm>> -> memref<40x128xf32, #tpu.memory_space<hbm>>
        tpu.enqueue_dma source(%dma_start3A_182 : memref<40x128xf32, #tpu.memory_space<hbm>>) target(%arg9 : memref<40x128xf32, #tpu.memory_space<vmem>>) target_semaphore(%arg16 : memref<!tpu.dma_semaphore, #tpu.memory_space<semaphore_mem>>)
      } else {
      }
      scf.yield %scan3A_168#0, %scan3A_168#1, %scan3A_168#2, %scan3A_168#3 : vector<16xf32>, vector<16xf32>, vector<16xf32>, vector<16xf32>
    }
    %scan3A_52 = arith.constant 5 : i32
    %add3A_53 = arith.addf %scan3A_51#0, %scan3A_51#1 : vector<16xf32>
    %add3A_54 = arith.addf %scan3A_51#2, %scan3A_51#3 : vector<16xf32>
    %mul3A_55 = arith.constant 2.000000e+00 : f32
    %mul3A_56 = vector.broadcast %mul3A_55 : f32 to vector<16xf32>
    %mul3A_57 = arith.mulf %mul3A_56, %add3A_54 : vector<16xf32>
    %sub3A = arith.subf %add3A_53, %mul3A_57 : vector<16xf32>
    %swap3A = arith.constant 0 : index
    %swap3A_58 = tpu.vector_load %arg11[%swap3A] {strides = array<i32>} : memref<16xf32, #tpu.memory_space<vmem>>, vector<16xf32>,
    %swap3A_59 = vector.shape_cast %swap3A_58 : vector<16xf32> to vector<16xf32>
    %swap3A_60 = vector.shape_cast %sub3A : vector<16xf32> to vector<16xf32>
    tpu.vector_store %arg11[%swap3A], %swap3A_60 {strides = array<i32>} : memref<16xf32, #tpu.memory_space<vmem>>, vector<16xf32>,
    "tpu.region"() ({
      %run_scoped3A = tpu.sem_alloc : memref<!tpu.dma_semaphore, #tpu.memory_space<semaphore_mem>>
      %dma_start3A_61 = arith.constant 0 : i32
      %dma_start3A_62 = tpu.memref_slice %arg4[%add3A, %dma_start3A_61] : memref<32x16xf32, #tpu.memory_space<hbm>> -> memref<1x16xf32, #tpu.memory_space<hbm>>
      %dma_start3A_63 = tpu.memref_squeeze %dma_start3A_62 : memref<1x16xf32, #tpu.memory_space<hbm>> -> memref<16xf32, #tpu.memory_space<hbm>>
      %dma_start3A_64 = arith.constant 0 : i32
      %dma_start3A_65 = tpu.memref_slice %arg4[%add3A, %dma_start3A_64] : memref<32x16xf32, #tpu.memory_space<hbm>> -> memref<1x16xf32, #tpu.memory_space<hbm>>
      %dma_start3A_66 = tpu.memref_squeeze %dma_start3A_65 : memref<1x16xf32, #tpu.memory_space<hbm>> -> memref<16xf32, #tpu.memory_space<hbm>>
      tpu.enqueue_dma source(%arg11 : memref<16xf32, #tpu.memory_space<vmem>>) target(%dma_start3A_66 : memref<16xf32, #tpu.memory_space<hbm>>) target_semaphore(%run_scoped3A : memref<!tpu.dma_semaphore, #tpu.memory_space<semaphore_mem>>)
      %dma_wait3A = arith.constant 0 : i32
      %dma_wait3A_67 = tpu.memref_slice %arg4[%add3A, %dma_wait3A] : memref<32x16xf32, #tpu.memory_space<hbm>> -> memref<1x16xf32, #tpu.memory_space<hbm>>
      %dma_wait3A_68 = tpu.memref_squeeze %dma_wait3A_67 : memref<1x16xf32, #tpu.memory_space<hbm>> -> memref<16xf32, #tpu.memory_space<hbm>>
      %dma_wait3A_69 = arith.constant 0 : i32
      %dma_wait3A_70 = tpu.memref_slice %arg4[%add3A, %dma_wait3A_69] : memref<32x16xf32, #tpu.memory_space<hbm>> -> memref<1x16xf32, #tpu.memory_space<hbm>>
      %dma_wait3A_71 = tpu.memref_squeeze %dma_wait3A_70 : memref<1x16xf32, #tpu.memory_space<hbm>> -> memref<16xf32, #tpu.memory_space<hbm>>
      tpu.wait_dma2 semaphore(%run_scoped3A : memref<!tpu.dma_semaphore, #tpu.memory_space<semaphore_mem>>) src(%arg11 : memref<16xf32, #tpu.memory_space<vmem>>) dst(%dma_wait3A_71 : memref<16xf32, #tpu.memory_space<hbm>>)
      tpu.yield
    }) : () -> ()
    return
  }
}

module attributes {stable_mosaic.version = 14 : i64} {
  func.func @_tc_body(%arg0: i32, %arg1: memref<1000x2048xf32, #tpu.memory_space<vmem>>, %arg2: memref<1x1x2048xi32, #tpu.memory_space<vmem>>, %arg3: memref<1x1xf32, #tpu.memory_space<vmem>>) attributes {dimension_semantics = [#tpu.dimension_semantics<arbitrary>], iteration_bounds = array<i64: 6>, scalar_prefetch = 0 : i64, scratch_operands = 0 : i64, tpu.core_type = #tpu.core_type<tc>, window_params = [{transform_indices = @transform_0, window_bounds = array<i64: 1000, 2048>}, {transform_indices = @transform_1, window_bounds = array<i64: 1, 1, 2048>}, {pipeline_mode = #tpu.pipeline_mode<synchronous>, transform_indices = @transform_2, window_bounds = array<i64: 1, 1>}]} {
    %eq3A = arith.constant 0 : i32
    %eq3A_0 = arith.cmpi eq, %arg0, %eq3A : i32
    %convert_element_type3A = arith.extui %eq3A_0 : i1 to i32
    %cond3A = arith.constant 0 : i32
    %cond3A_1 = arith.cmpi ne, %convert_element_type3A, %cond3A : i32
    scf.if %cond3A_1 {
      %broadcast_in_dim3A_27 = arith.constant 0.000000e+00 : f32
      %broadcast_in_dim3A_28 = vector.broadcast %broadcast_in_dim3A_27 : f32 to vector<1x1xf32>
      %swap3A_29 = arith.constant 0 : index
      %swap3A_30 = arith.constant 0 : index
      %swap3A_31 = vector.load %arg3[%swap3A_29, %swap3A_30] : memref<1x1xf32, #tpu.memory_space<vmem>>, vector<1x1xf32>
      tpu.vector_store %arg3[%swap3A_29, %swap3A_30], %broadcast_in_dim3A_28 {strides = array<i32>} : memref<1x1xf32, #tpu.memory_space<vmem>>, vector<1x1xf32>,
    } else {
    }
    %get3A = arith.constant 0 : index
    %get3A_2 = arith.constant 0 : index
    %get3A_3 = vector.load %arg1[%get3A, %get3A_2] : memref<1000x2048xf32, #tpu.memory_space<vmem>>, vector<1000x2048xf32>
    %get3A_4 = arith.constant 0 : index
    %get3A_5 = arith.constant 0 : index
    %get3A_6 = arith.constant 0 : index
    %get3A_7 = vector.load %arg2[%get3A_4, %get3A_5, %get3A_6] : memref<1x1x2048xi32, #tpu.memory_space<vmem>>, vector<1x1x2048xi32>
    %reshape3A = vector.shape_cast %get3A_7 : vector<1x1x2048xi32> to vector<1x2048xi32>
    %iota3A = tpu.iota {dimensions = array<i32: 0>} : vector<1000x2048xi32>
    %eq3A_8 = vector.broadcast %reshape3A : vector<1x2048xi32> to vector<1000x2048xi32>
    %eq3A_9 = arith.cmpi eq, %iota3A, %eq3A_8 : vector<1000x2048xi32>
    %jit3A = arith.constant 0.000000e+00 : f32
    %broadcast_in_dim3A = vector.broadcast %jit3A : f32 to vector<1000x2048xf32>
    %select_n3A = arith.select %eq3A_9, %get3A_3, %broadcast_in_dim3A : vector<1000x2048xi1>, vector<1000x2048xf32>
    %get3A_10 = arith.constant 0 : index
    %get3A_11 = arith.constant 0 : index
    %get3A_12 = vector.load %arg3[%get3A_10, %get3A_11] : memref<1x1xf32, #tpu.memory_space<vmem>>, vector<1x1xf32>
    %mul3A = arith.mulf %get3A_3, %get3A_3 : vector<1000x2048xf32>
    %reduce_sum3A = vector.shape_cast %mul3A : vector<1000x2048xf32> to vector<1x1000x2048xf32>
    %reduce_sum3A_13 = arith.constant dense<0.000000e+00> : vector<1xf32>
    %reduce_sum3A_14 = vector.multi_reduction <add>, %reduce_sum3A, %reduce_sum3A_13 [1, 2] : vector<1x1000x2048xf32> to vector<1xf32>
    %reduce_sum3A_15 = vector.shape_cast %reduce_sum3A_14 : vector<1xf32> to vector<1x1x1xf32>
    %reduce_sum3A_16 = vector.extract %reduce_sum3A_15[0, 0, 0] : f32 from vector<1x1x1xf32>
    %reduce_sum3A_17 = vector.shape_cast %select_n3A : vector<1000x2048xf32> to vector<1x1000x2048xf32>
    %reduce_sum3A_18 = arith.constant dense<0.000000e+00> : vector<1xf32>
    %reduce_sum3A_19 = vector.multi_reduction <add>, %reduce_sum3A_17, %reduce_sum3A_18 [1, 2] : vector<1x1000x2048xf32> to vector<1xf32>
    %reduce_sum3A_20 = vector.shape_cast %reduce_sum3A_19 : vector<1xf32> to vector<1x1x1xf32>
    %reduce_sum3A_21 = vector.extract %reduce_sum3A_20[0, 0, 0] : f32 from vector<1x1x1xf32>
    %mul3A_22 = arith.constant 2.000000e+00 : f32
    %mul3A_23 = arith.mulf %mul3A_22, %reduce_sum3A_21 : f32
    %sub3A = arith.subf %reduce_sum3A_16, %mul3A_23 : f32
    %reshape3A_24 = vector.broadcast %sub3A : f32 to vector<1x1xf32>
    %add3A = arith.addf %get3A_12, %reshape3A_24 : vector<1x1xf32>
    %swap3A = arith.constant 0 : index
    %swap3A_25 = arith.constant 0 : index
    %swap3A_26 = vector.load %arg3[%swap3A, %swap3A_25] : memref<1x1xf32, #tpu.memory_space<vmem>>, vector<1x1xf32>
    tpu.vector_store %arg3[%swap3A, %swap3A_25], %add3A {strides = array<i32>} : memref<1x1xf32, #tpu.memory_space<vmem>>, vector<1x1xf32>,
    return
  }
  func.func @transform_0(%arg0: i32) -> (i32, i32) {
    %c0_i32 = arith.constant 0 : i32
    %c0_i32_0 = arith.constant 0 : i32
    return %c0_i32, %arg0 : i32, i32
  }
  func.func @transform_1(%arg0: i32) -> (i32, i32, i32) {
    %c0_i32 = arith.constant 0 : i32
    %c0_i32_0 = arith.constant 0 : i32
    %c0_i32_1 = arith.constant 0 : i32
    return %arg0, %c0_i32, %c0_i32_0 : i32, i32, i32
  }
  func.func @transform_2(%arg0: i32) -> (i32, i32) {
    %c0_i32 = arith.constant 0 : i32
    %c0_i32_0 = arith.constant 0 : i32
    %c0_i32_1 = arith.constant 0 : i32
    return %c0_i32, %c0_i32_0 : i32, i32
  }
}

</mosaic_0001>

<sc_bundles>
// kernel: kernel.4.cloned.1.call-start
scs
__scs_entry_jumppad:
0x0: {  	(pc) =	sbr.rel $0x88, $3  }
0x1: {  	(tag) =	ssettag $0x0;
	lr =	simm.s32 $0x1  }
0x2: {  	[smem:$0x3F9F] =	sst lr;
	_ =	strace $0xD0000000  }
0x3: {  	_ = 	snop  }
0x4: {  	_ = 	snop  }
0x5: {  	_ = 	snop  }
0x6: {  	_ = 	snop  }
0x7: {  	_ = 	snop  }
__scs_overlays_trampoline_lowered:
0x8: {  	[smem:$0x3FAE] =	sst s0  }
0x9: {  	[smem:$0x3FAF] =	sst s1  }
0xa: {  	[smem:$0x3FB0] =	sst s2  }
0xb: {  	[smem:$0x3FB1] =	sst s3  }
0xc: {  	[smem:$0x3FB2] =	sst s4  }
0xd: {  	[smem:$0x3FB3] =	sst s5  }
0xe: {  	[smem:$0x3FB4] =	sst s6  }
0xf: {  	[smem:$0x3FB5] =	sst s7  }
0x10: {  	[smem:$0x3FB6] =	sst s8  }
0x11: {  	[smem:$0x3FB7] =	sst s9;
	s0 =	simm.s32 @!p0 $0x0  }
0x12: {  	s1 =	sld [smem:$0x3F9D];
	s0 =	simm.s32 @p0 $0x1  }
0x13: {  	[smem:$0x3FB8] =	sst s0;
	s0 =	simm.s32 @!p1 $0x0  }
0x14: {  	s2 =	sld [smem:$0x3F9C];
	s0 =	simm.s32 @p1 $0x1  }
0x15: {  	[smem:$0x3FB9] =	sst s0;
	s0 =	simm.s32 @!p2 $0x0  }
0x16: {  	s3 =	sld [smem:$0x3FDB];
	s0 =	simm.s32 @p2 $0x1  }
0x17: {  	s4 =	simm.s32 $0x1BF5;
	[smem:$0x3FBB] =	sst s0  }
0x18: {  	s0 =	sld [smem:$0x3F9E];
	_ =	swait.ge [sflag:s4], $0x0  }
0x19: {  	s7 =	sld [smem:$0x3F9F]  }
0x1a: {  	s8 =	sadd.s32 $0xFFFFE003, lr  }
0x1b: {  	s9 =	sadd.s32 $0xFFFFFEF7, lr;
	s5 =	simm.s32 $0xFFFFFFFF;
	p2 =	slt.u32 s8, $0xFFFFF086  }
0x1c: {  	p1 =	slt.u32 s9, $0xF7A;
	s5 =	simm.s32 @!p2 $0x0  }
0x1d: {  	s5 =	simm.s32 @p1 $0x1;
	p0 =	seq.s32 s7, s2  }
0x1e: {  	s7 =	smul.u32 @!p0 $0xF7A, s2;
	p2 =	seq.s32 @!p0 s5, $0x0  }
0x1f: {  	s9 =	smul.u32 $0xF7A, s1;
	s8 =	simm.s32 @!p0 $0x1BF5;
	p2 =	por !p2, p0  }
0x20: {  	[sflag:s8] =	ssyncset.s32 @!p0 $0xFFFFF086;
	s6 =	sadd.s32 @!p0 s3, s7;
	s7 =	simm.s32 @!p0 $0x108  }
0x21: {  	s3 =	sadd.s32 s3, s9;
	s6 =	sadd.s32 @!p0 $0x88, s6;
	s7 =	simm.s32 @p2 $0x1082  }
0x22: {  	[simem:s7], [sflag:s8] =	dma.local @!p0 [hbm:s6], $0xF7A  }
0x23: {  	s9 =	sor.u32 $0xD0000000, s2;
	s6 =	simm.s32 $0x108;
	_ =	swait.ge @!p0 [sflag:s8], $0x0  }
0x24: {  	s3 =	sadd.s32 $0x88, s3;
	s6 =	simm.s32 @!p1 $0x1082;
	[sflag:s4] =	ssyncset.s32 $0xFFFFF086  }
0x25: {  	[simem:s6], [sflag:s4] =	dma.local [hbm:s3], $0xF7A  }
0x26: {  	[smem:$0x3F9F] =	sst s1;
	(tag) =	ssettag s2;
	_ =	strace s9  }
0x27: {  	s1 =	sld [smem:$0x3FAF]  }
0x28: {  	s2 =	sld [smem:$0x3FB0]  }
0x29: {  	s4 =	sld [smem:$0x3FB2]  }
0x2a: {  	p0 =	seq.s32 s5, $0x0;
	s5 =	sld [smem:$0x3FB3]  }
0x2b: {  	s6 =	sld [smem:$0x3FB4]  }
0x2c: {  	s7 =	sld [smem:$0x3FB5]  }
0x2d: {  	s3 =	simm.s32 $0x108;
	s8 =	sld [smem:$0x3FB6]  }
0x2e: {  	s3 =	simm.s32 @!p0 $0x1082;
	s9 =	sld [smem:$0x3FB7]  }
0x2f: {  	lr =	sadd.s32 s0, s3;
	s0 =	sld [smem:$0x3FAE]  }
0x30: {  	s3 =	sld [smem:$0x3FB1]  }
0x31: {  	[smem:$0x3FBA] =	sst s10  }
0x32: {  	s10 =	sld [smem:$0x3FB8];
	_ =	sdelay $0x3  }
0x33: {  	p0 =	seq.s32 s10, $0x1;
	s10 =	sld [smem:$0x3FBA];
	_ =	sdelay $0x3  }
0x34: {  	[smem:$0x3FBA] =	sst s10  }
0x35: {  	s10 =	sld [smem:$0x3FB9];
	_ =	sdelay $0x3  }
0x36: {  	p1 =	seq.s32 s10, $0x1;
	s10 =	sld [smem:$0x3FBA];
	_ =	sdelay $0x3  }
0x37: {  	[smem:$0x3FBA] =	sst s10  }
0x38: {  	s10 =	sld [smem:$0x3FBB]  }
0x39: {  	_ = 	snop;
	(pc) =	sbr.ind lr, $3  }
0x3a: {  	_ = 	snop  }
0x3b: {  	_ = 	snop  }
0x3c: {  	p2 =	seq.s32 s10, $0x1;
	s10 =	sld [smem:$0x3FBA]  }
0x3d: {  	_ =	shalt  }
0x3e: {  	_ =	shalt  }
0x3f: {  	_ =	shalt  }
0x40: {  	_ =	shalt  }
0x41: {  	_ =	shalt  }
0x42: {  	_ =	shalt  }
0x43: {  	_ =	shalt  }
0x44: {  	_ =	shalt  }
0x45: {  	_ =	shalt  }
0x46: {  	_ =	shalt  }
0x47: {  	_ =	shalt  }
0x48: {  	_ =	shalt  }
0x49: {  	_ =	shalt  }
0x4a: {  	_ =	shalt  }
0x4b: {  	_ =	shalt  }
0x4c: {  	_ =	shalt  }
0x4d: {  	_ =	shalt  }
0x4e: {  	_ =	shalt  }
0x4f: {  	_ =	shalt  }
0x50: {  	_ =	shalt  }
0x51: {  	_ =	shalt  }
0x52: {  	_ =	shalt  }
0x53: {  	_ =	shalt  }
0x54: {  	_ =	shalt  }
0x55: {  	_ =	shalt  }
0x56: {  	_ =	shalt  }
0x57: {  	_ =	shalt  }
0x58: {  	_ =	shalt  }
0x59: {  	_ =	shalt  }
0x5a: {  	_ =	shalt  }
0x5b: {  	_ =	shalt  }
0x5c: {  	_ =	shalt  }
0x5d: {  	_ =	shalt  }
0x5e: {  	_ =	shalt  }
0x5f: {  	_ =	shalt  }
0x60: {  	_ =	shalt  }
0x61: {  	_ =	shalt  }
0x62: {  	_ =	shalt  }
0x63: {  	_ =	shalt  }
0x64: {  	_ =	shalt  }
0x65: {  	_ =	shalt  }
0x66: {  	_ =	shalt  }
0x67: {  	_ =	shalt  }
0x68: {  	_ =	shalt  }
0x69: {  	_ =	shalt  }
0x6a: {  	_ =	shalt  }
0x6b: {  	_ =	shalt  }
0x6c: {  	_ =	shalt  }
0x6d: {  	_ =	shalt  }
0x6e: {  	_ =	shalt  }
0x6f: {  	_ =	shalt  }
0x70: {  	_ =	shalt  }
0x71: {  	_ =	shalt  }
0x72: {  	_ =	shalt  }
0x73: {  	_ =	shalt  }
0x74: {  	_ =	shalt  }
0x75: {  	_ =	shalt  }
0x76: {  	_ =	shalt  }
0x77: {  	_ =	shalt  }
0x78: {  	_ =	shalt  }
0x79: {  	_ =	shalt  }
0x7a: {  	_ =	shalt  }
0x7b: {  	_ =	shalt  }
0x7c: {  	_ =	shalt  }
0x7d: {  	_ =	shalt  }
0x7e: {  	_ =	shalt  }
0x7f: {  	_ =	shalt  }
0x80: {  	_ =	shalt  }
0x81: {  	_ =	shalt  }
0x82: {  	_ =	shalt  }
0x83: {  	_ =	shalt  }
0x84: {  	_ =	shalt  }
0x85: {  	_ =	shalt  }
0x86: {  	_ =	shalt  }
0x87: {  	_ =	shalt  }
.Lfunc_end0:
.L_simem_size_0:
called_computation_lowered:
.L_overlay_start_0:
0x88: {  	s2 =	sld [smem:$0x3FD9]  }
0x89: {  	s3 =	sld [smem:$0x3FFE];
	_ =	sdelay $0x1  }
0x8a: {  	s1 =	srdreg.scid  }
0x8b: {  	s0 =	sand.u32 $0x1, s1  }
0x8c: {  	s17 =	sshll.u32 s0, $0xA;
	s2 =	sadd.s32 s3, s2  }
0x8d: {  	s2 =	sadd.s32 s2, s17  }
0x8e: {  	[smem:$0x3FC6] =	sst s2  }
0x8f: {  	_ = 	snop  }
0x90: {  	s2 =	sld [smem:$0x3FC9]  }
0x91: {  	s18 =	sld [smem:$0x3FC8];
	(tm) =	ssettm $0x1  }
0x92: {  	s4 =	sld [smem:$0x3FFB];
	_ =	sdelay $0x3  }
0x93: {  	_ =	strace s4  }
0x94: {  	s4 =	sld [smem:$0x3FFC];
	_ =	sdelay $0x3  }
0x95: {  	_ =	strace s4  }
0x96: {  	s4 =	sld [smem:$0x3FFD];
	_ =	sdelay $0x3  }
0x97: {  	_ =	strace s4  }
0x98: {  	_ =	strace $0x8FFFFFFF  }
0x99: {  	s19 =	sld [smem:$0x3FDB];
	_ =	sdelay $0x1  }
0x9a: {  	s5 =	simm.s32 $_scs_section_size  }
0x9b: {  	s6 =	simm.s32 $_size__tile_overlayer_lowered;
	s7 =	simm.s32 $_tile_overlayer_lowered  }
0x9c: {  	s22 =	simm.s32 $0x1BFF;
	s21 =	sshll.u32 s7, $0x1;
	s4 =	sadd.s32 s5, s19  }
0x9d: {  	s8 =	simm.s32 $0x0;
	s20 =	sshll.u32 s6, $0x1;
	s6 =	sadd.s32 s21, s4  }
0x9e: {  	[timem:s8], [sflag:s22] =	dma.local [hbm:s6], s20  }
0x9f: {  	_ =	swait.ge [sflag:s22], s20  }
0xa0: {  	s5 =	ssub.s32 $0x0, s20;
	[sflag:s22] =	ssyncset.done $0x0  }
0xa1: {  	[sflag:s22] =	ssyncadd.s32 s5;
	_ =	sdelay $0x1  }
0xa2: {  	s23 =	simm.s32 $0x1B8B  }
0xa3: {  	_ =	swait.ge [sflag:s23], $0x1  }
0xa4: {  	[sflag:s23] =	ssyncset.done $0x0  }
0xa5: {  	s25 =	simm.s32 $0x1B8E;
	s24 =	sld [smem:$0x3FFE];
	[sflag:s23] =	ssyncadd.s32 $0xFFFFFFFF  }
0xa6: {  	s26 =	simm.s32 $execute0_lowered;
	[smem:$0x3FD2] =	sst s25  }
0xa7: {  	s6 =	sshll.u32 s26, $0x1;
	_ =	strace $0x80000046;
	[dreg:$0x1] =	wrdreg $0xFFFFFFFF  }
0xa8: {  	s28 =	simm.s32 $_size_execute0_lowered;
	s4 =	sadd.s32 s4, s6;
	[dreg:$0x0] =	wrdreg $0x0  }
0xa9: {  	s6 =	sshll.u32 s28, $0x1;
	[dreg:$0x2] =	wrdreg s4  }
0xaa: {  	[dreg:$0x3] =	wrdreg s6  }
0xab: {  	[dreg:$0x4] =	wrdreg $0xC0  }
0xac: {  	_ =	task [dreg:s8], $0x5FFFF  }
0xad: {  	[dreg:$0x1] =	wrdreg $0xFFFFFFFF  }
0xae: {  	[dreg:$0x0] =	wrdreg $0x60  }
0xaf: {  	[dreg:$0x2] =	wrdreg s2  }
0xb0: {  	[dreg:$0x3] =	wrdreg s18  }
0xb1: {  	[dreg:$0x4] =	wrdreg s24  }
0xb2: {  	[dreg:$0x5] =	wrdreg $0x9  }
0xb3: {  	_ =	task.clear_ibuf [dreg:s8], $0x6FFFF;
	_ =	strace $0x90000046  }
0xb4: {  	s29 =	simm.s32 $0x9;
	_ =	strace $0x80000048  }
0xb5: {  	_ =	swait.ge [sflag:s29], $0x1  }
0xb6: {  	[sflag:s29] =	ssyncadd.s32 $0xFFFFFFFF  }
0xb7: {  	_ =	strace $0x90000048  }
0xb8: {  	_ =	sfence  }
0xb9: {  	s30 =	sld [smem:$0x0];
	_ =	sdelay $0x2  }
0xba: {  	s31 =	sshll.u32 s1, $0xD;
	s1 =	sshrl.u32 s1, $0x2  }
0xbb: {  	s3 =	sand.u32 $0x4000, s31;
	s1 =	sadd.s32 s1, s30  }
0xbc: {  	s0 =	sor.u32 s3, s0;
	s1 =	sshll.u32 s1, $0x11  }
0xbd: {  	s0 =	sor.u32 s1, s0  }
0xbe: {  	s0 =	sadd.s32 $0x8F2B, s0  }
0xbf: {  	[sflag:s0] =	ssyncadd.remote.s32 $0x1  }
0xc0: {  	_ =	sfence.sel $0xFFFF  }
0xc1: {  	[dreg:$0x0] =	wrdreg $0xFFFFFFFF;
	(pc) =	sbr.abs _section_cstart, $3  }
0xc2: {  	[dreg:$0x1] =	wrdreg $0xFFFFFFFF  }
0xc3: {  	_ =	task.clear_ibuf [dreg:s8], $0x2FFFF;
	_ =	strace $0x9FFFFFFF  }
0xc4: {  	(tm) =	ssettm $0x7FFFFFFF  }
0xc5: {  	_ =	shalt  }
tec
execute0_lowered:
.L_overlay_start_1:
0x0: {  	(tag) =	ssettag $0x1  }
0x1: {  	s1 =	rddreg [dreg:$0x0]  }
0x2: {  	s0 =	rddreg [dreg:$0x1]  }
0x3: {  	s2 =	rddreg [dreg:$0x2];
	s4 =	srdreg.scid  }
0x4: {  	s5 =	stileid.u32;
	s3 =	simm.s32 $0x0;
	s18 =	simm.s32 $0x6  }
0x5: {  	s19 =	simm.s32 $0x400;
	s20 =	simm.s32 $0x20000;
	s28 =	simm.s32 $0x3  }
0x6: {  	s29 =	simm.s32 $0x4;
	s4 =	sand.u32 $0x1, s4;
	s5 =	sshll.u32 s5, $0x1  }
0x7: {  	s30 =	simm.s32 $0x5;
	[smem:$0x7FF] =	sst s3;
	s5 =	sor.u32 s4, s5  }
0x8: {  	_ =	strace $0x80000047;
	s4 =	ssub.s32 $0x2, s4;
	s6 =	sshll.u32 s5, $0x4  }
0x9: {  	s21 =	sor.u32 $0x60, s5;
	s22 =	sshrl.u32 s4, $0x1;
	s2 =	sadd.s32 s6, s2  }
0xa: {  	s7 =	sshll.u32 s21, $0x4;
	s8 =	sshll.u32 s21, $0x7;
	s4 =	ssub.s32 s4, s22  }
0xb: {  	s23 =	sshll.u32 s21, $0xA;
	s0 =	sadd.s32 s0, s7;
	s5 =	sadd.s32 s1, s8  }
0xc: {  	s10 =	sor.u32 $0x320000, s23;
	s11 =	sor.u32 $0x3C0000, s23;
	s12 =	sor.u32 $0x460000, s23  }
0xd: {  	s13 =	sor.u32 $0x500000, s23;
	[dreg:$0x4] =	wrdreg s0;
	s24 =	sadd.s32 $0x14000, s5  }
.Ltmp0:
0xe: {  	s25 =	sadd.s32 $0x28000, s5;
	[dreg:$0x5] =	wrdreg s24;
	(pc) =	sbr.rel .LBB2_1-.Ltmp0, $4  }
0xf: {  	s14 =	sor.u32 $0x5A0000, s23;
	s26 =	sadd.s32 $0x3C000, s5;
	[dreg:$0x6] =	wrdreg s25  }
0x10: {  	s15 =	sadd.s32 $0x200, s2;
	s31 =	sadd.s32 $0x50000, s5;
	[dreg:$0x7] =	wrdreg s26  }
0x11: {  	s16 =	smax.u32 s4, $0x1;
	s0 =	simm.s32 $0x0;
	[dreg:$0x8] =	wrdreg s31  }
0x12: {  	s24 =	simm.s32 $0x5000;
	s25 =	simm.s32 $0x1;
	s26 =	simm.s32 $0x2  }
.LBB2_14:
0x13: {  	v0 =	vadd.f32 v8, v9;
	_ =	sdelay $0x1  }
0x14: {  	v1 =	vadd.f32 v10, v12;
	v0 =	vadd.f32 v0, v0;
	_ =	sdelay $0x1  }
0x15: {  	s0 =	sadd.s32 $0x1, s0;
	v0 =	vsub.f32 v1, v0  }
0x16: {  	p0 =	sne.s32 s0, s16  }
.Ltmp1:
0x17: {  	s2 =	simm.s32 $0x6480;
	[tilespmem:$0x6480] =	vst v0;
	(pc) =	sbr.rel @!p0 .LBB2_15-.Ltmp1, $4  }
0x18: {  	[hbm4b:s15+s3] =	stream.linear.scatter [tilespmem:s2], [sflag:$0x6], $0x80, $0x38;
	[tilespmem:$0x6500] =	vst v63  }
0x19: {  	_ =	swait.ge [sflag:s18], $0x80  }
0x1a: {  	[sflag:s18] =	ssyncset.done $0x0  }
0x1b: {  	[sflag:s18] =	ssyncadd.s32 $0xFFFFFF80  }
.LBB2_1:
0x1c: {  	s2 =	rddreg [dreg:$0x4];
	s4 =	simm.s32 $0x6400  }
0x1d: {  	[tilespmem:s4], [sflag:$0x6] =	stream.linear.gather [hbm4b:s2+s3], $0x80, $0x38;
	[tilespmem:$0x6500] =	vst v63  }
0x1e: {  	_ =	swait.ge [sflag:s18], $0x80  }
0x1f: {  	[sflag:s18] =	ssyncset.done $0x0  }
0x20: {  	[sflag:s18] =	ssyncadd.s32 $0xFFFFFF80  }
0x21: {  	[tilespmem:s3], [sflag:$0x1] =	stream.strided.gather [hbm4b:s5+s19], $0x1400, s20, s19, $0x38;
	[tilespmem:$0x6500] =	vst v63  }
0x22: {  	s8 =	simm.s32 $0x1400;
	s7 =	rddreg [dreg:$0x5]  }
0x23: {  	[tilespmem:s8], [sflag:$0x2] =	stream.strided.gather [hbm4b:s7+s19], $0x1400, s20, s19, $0x38;
	[tilespmem:$0x6500] =	vst v63  }
0x24: {  	s17 =	simm.s32 $0x2800;
	s9 =	rddreg [dreg:$0x6]  }
0x25: {  	[tilespmem:s17], [sflag:$0x3] =	stream.strided.gather [hbm4b:s9+s19], $0x1400, s20, s19, $0x38;
	[tilespmem:$0x6500] =	vst v63  }
0x26: {  	s22 =	simm.s32 $0x3C00;
	s21 =	rddreg [dreg:$0x7]  }
0x27: {  	[tilespmem:s22], [sflag:$0x4] =	stream.strided.gather [hbm4b:s21+s19], $0x1400, s20, s19, $0x38;
	[tilespmem:$0x6500] =	vst v63  }
0x28: {  	s23 =	rddreg [dreg:$0x8]  }
0x29: {  	[tilespmem:s24], [sflag:$0x5] =	stream.strided.gather [hbm4b:s23+s19], $0x1400, s20, s19, $0x38;
	[tilespmem:$0x6500] =	vst v63  }
0x2a: {  	v0 =	vld [tilespmem:$0x6400]  }
0x2b: {  	v1 =	vld [tilespmem:$0x6410]  }
0x2c: {  	v2 =	vld [tilespmem:$0x6420]  }
0x2d: {  	v4 =	vld [tilespmem:$0x6440]  }
0x2e: {  	v5 =	vld [tilespmem:$0x6450]  }
0x2f: {  	v3 =	vld [tilespmem:$0x6430];
	_ =	sdelay $0x1  }
0x30: {  	v8 =	vimm.f32 $0.0e+00;
	s31 =	simm.s32 $0x0;
	s2 =	simm.s32 $0x28;
	s17 =	simm.s32 $0x50;
	v6 =	vld [tilespmem:$0x6460]  }
0x31: {  	v9 =	vimm.f32 $0.0e+00;
	v10 =	vimm.f32 $0.0e+00;
	v12 =	vimm.f32 $0.0e+00;
	s21 =	simm.s32 $0x78;
	s22 =	simm.s32 $0xA0;
	s23 =	simm.s32 $0x0;
	v7 =	vld [tilespmem:$0x6470]  }
.LBB2_2:
0x32: {  	_ =	swait.ge [sflag:s25], $0x1400  }
0x33: {  	[sflag:s25] =	ssyncset.done $0x0  }
0x34: {  	s6 =	simm.s32 $0x40;
	[sflag:s25] =	ssyncadd.s32 $0xFFFFEC00  }
0x35: {  	v11 =	vld [tilespmem:s6+$0x20]  }
0x36: {  	v15 =	vld [tilespmem:s6+$0x0]  }
0x37: {  	v13 =	vld [tilespmem:s6+$0xFFFFFFE0]  }
0x38: {  	s7 =	sadd.s32 $0x0, s23;
	v16 =	vld [tilespmem:s6+$0xFFFFFFC0]  }
0x39: {  	s4 =	simm.s32 $0x1;
	v14 =	vld [tilespmem:s6+$0xFFFFFFD0];
	vm1 =	veq.s32 v6, s7;
	vm0 =	veq.s32 v7, s7  }
.LBB2_3:
0x3a: {  	p0 =	sne.s32 s4, $0x27;
	vm3 =	veq.s32 v2, s7;
	vm4 =	veq.s32 v4, s7;
	vm2 =	veq.s32 v5, s7  }
0x3b: {  	vm5 =	veq.s32 v0, s7;
	vm6 =	veq.s32 v1, s7;
	vm7 =	veq.s32 v3, s7;
	v17 =	vld [tilespmem:s6+$0xFFFFFFF0]  }
0x3c: {  	v19 =	vnsel vm1, $0x0, v11;
	v20 =	vmul.f32 v11, v11;
	v18 =	vnsel vm4, $0x0, v15  }
0x3d: {  	v15 =	vmul.f32 v15, v15;
	v21 =	vnsel vm3, $0x0, v13;
	v11 =	vmul.f32 v16, v16;
	v22 =	vld [tilespmem:s6+$0x10]  }
0x3e: {  	v13 =	vmul.f32 v13, v13;
	v16 =	vnsel vm5, $0x0, v16;
	v23 =	vmul.f32 v14, v14  }
0x3f: {  	v9 =	vadd.f32 v16, v9;
	v11 =	vadd.f32 v11, v12;
	v12 =	vnsel vm6, $0x0, v14;
	v14 =	vld [tilespmem:s6+$0x30]  }
0x40: {  	v10 =	vadd.f32 v23, v10;
	v8 =	vadd.f32 v12, v8;
	v12 =	vmul.f32 v17, v17  }
0x41: {  	v9 =	vadd.f32 v21, v9;
	v13 =	vadd.f32 v13, v11;
	v11 =	vnsel vm7, $0x0, v17  }
0x42: {  	s6 =	sadd.s32 $0x80, s6;
	v10 =	vadd.f32 v12, v10;
	v8 =	vadd.f32 v11, v8;
	v12 =	vmul.f32 v22, v22  }
.Ltmp2:
0x43: {  	v9 =	vadd.f32 v18, v9;
	v11 =	vld [tilespmem:s6+$0x20];
	v16 =	vadd.f32 v15, v13;
	v13 =	vnsel vm2, $0x0, v22;
	(pc) =	sbr.rel @p0 .LBB2_3-.Ltmp2, $4  }
0x44: {  	v15 =	vld [tilespmem:s6+$0x0];
	v10 =	vadd.f32 v12, v10;
	v8 =	vadd.f32 v13, v8;
	v17 =	vmul.f32 v14, v14  }
0x45: {  	v9 =	vadd.f32 v19, v9;
	v14 =	vnsel vm0, $0x0, v14;
	v13 =	vld [tilespmem:s6+$0xFFFFFFE0];
	v12 =	vadd.f32 v20, v16  }
0x46: {  	s7 =	sadd.s32 s4, s23;
	v16 =	vld [tilespmem:s6+$0xFFFFFFC0];
	v10 =	vadd.f32 v17, v10;
	v8 =	vadd.f32 v14, v8  }
0x47: {  	s4 =	sadd.s32 $0x1, s4;
	vm1 =	veq.s32 v6, s7;
	vm0 =	veq.s32 v7, s7;
	v14 =	vld [tilespmem:s6+$0xFFFFFFD0]  }
0x48: {  	p0 =	seq.s32 s31, $0x4  }
0x49: {  	vm3 =	veq.s32 v2, s7;
	s4 =	smul.u32 @!p0 $0x320000, s31  }
0x4a: {  	vm4 =	veq.s32 v4, s7;
	vm2 =	veq.s32 v5, s7;
	vm5 =	veq.s32 v0, s7;
	v17 =	vld [tilespmem:s6+$0xFFFFFFF0]  }
0x4b: {  	vm6 =	veq.s32 v1, s7;
	vm7 =	veq.s32 v3, s7;
	s8 =	sadd.s32 @!p0 s10, s4;
	v18 =	vmul.f32 v16, v16  }
0x4c: {  	v21 =	vld [tilespmem:s6+$0x10];
	v19 =	vnsel vm4, $0x0, v15;
	v15 =	vmul.f32 v15, v15;
	s9 =	simm.s32 @!p0 $0x0;
	v20 =	vnsel vm3, $0x0, v13;
	s7 =	sshrl.u32 @!p0 s8, $0x3  }
0x4d: {  	v16 =	vnsel vm5, $0x0, v16;
	v22 =	vmul.f32 v14, v14;
	s8 =	simm.s32 @!p0 $0x20000;
	s7 =	sadd.s32 @!p0 s1, s7;
	v12 =	vadd.f32 v18, v12;
	v18 =	vld [tilespmem:s6+$0x30];
	s6 =	simm.s32 @!p0 $0x400  }
0x4e: {  	v13 =	vmul.f32 v13, v13;
	v9 =	vadd.f32 v16, v9;
	v14 =	vnsel vm6, $0x0, v14;
	[tilespmem:s9], [sflag:$0x1] =	stream.strided.gather @!p0 [hbm4b:s7+s6], $0x1400, s8, s6, $0x38;
	[tilespmem:$0x6500] =	vst v63  }
0x4f: {  	v8 =	vadd.f32 v14, v8;
	v14 =	vmul.f32 v17, v17;
	v10 =	vadd.f32 v22, v10;
	_ =	swait.ge [sflag:s26], $0x1400  }
0x50: {  	v16 =	vmul.f32 v11, v11;
	v9 =	vadd.f32 v20, v9;
	v12 =	vadd.f32 v13, v12;
	[sflag:s26] =	ssyncset.done $0x0  }
0x51: {  	s6 =	simm.s32 $0x1440;
	v13 =	vnsel vm7, $0x0, v17;
	v10 =	vadd.f32 v14, v10;
	v14 =	vmul.f32 v21, v21;
	[sflag:s26] =	ssyncadd.s32 $0xFFFFEC00  }
0x52: {  	v13 =	vadd.f32 v13, v8;
	v9 =	vadd.f32 v19, v9;
	v19 =	vnsel vm1, $0x0, v11;
	v8 =	vld [tilespmem:s6+$0x20]  }
0x53: {  	s8 =	sadd.s32 $0x0, s2;
	v12 =	vadd.f32 v15, v12;
	v15 =	vnsel vm2, $0x0, v21;
	v10 =	vadd.f32 v14, v10;
	v14 =	vld [tilespmem:s6+$0x0]  }
0x54: {  	vm1 =	veq.s32 v6, s8;
	v17 =	vmul.f32 v18, v18;
	v15 =	vadd.f32 v15, v13;
	v11 =	vld [tilespmem:s6+$0xFFFFFFE0]  }
0x55: {  	v9 =	vadd.f32 v19, v9;
	v13 =	vadd.f32 v16, v12;
	v12 =	vnsel vm0, $0x0, v18;
	v16 =	vld [tilespmem:s6+$0xFFFFFFC0]  }
0x56: {  	s7 =	simm.s32 $0x1;
	vm0 =	veq.s32 v7, s8;
	v10 =	vadd.f32 v17, v10;
	v12 =	vadd.f32 v12, v15;
	v15 =	vld [tilespmem:s6+$0xFFFFFFD0]  }
.LBB2_5:
0x57: {  	p1 =	sne.s32 s7, $0x27;
	vm3 =	veq.s32 v2, s8;
	vm4 =	veq.s32 v4, s8;
	vm2 =	veq.s32 v5, s8  }
0x58: {  	vm5 =	veq.s32 v0, s8;
	vm6 =	veq.s32 v1, s8;
	vm7 =	veq.s32 v3, s8;
	v17 =	vld [tilespmem:s6+$0xFFFFFFF0]  }
0x59: {  	v19 =	vnsel vm1, $0x0, v8;
	v20 =	vmul.f32 v8, v8;
	v18 =	vnsel vm4, $0x0, v14  }
0x5a: {  	v14 =	vmul.f32 v14, v14;
	v21 =	vnsel vm3, $0x0, v11;
	v8 =	vmul.f32 v16, v16;
	v22 =	vld [tilespmem:s6+$0x10]  }
0x5b: {  	v11 =	vmul.f32 v11, v11;
	v16 =	vnsel vm5, $0x0, v16;
	v23 =	vmul.f32 v15, v15  }
0x5c: {  	v9 =	vadd.f32 v16, v9;
	v8 =	vadd.f32 v8, v13;
	v13 =	vnsel vm6, $0x0, v15;
	v15 =	vld [tilespmem:s6+$0x30]  }
0x5d: {  	v10 =	vadd.f32 v23, v10;
	v12 =	vadd.f32 v13, v12;
	v13 =	vmul.f32 v17, v17  }
0x5e: {  	v9 =	vadd.f32 v21, v9;
	v11 =	vadd.f32 v11, v8;
	v8 =	vnsel vm7, $0x0, v17  }
0x5f: {  	s6 =	sadd.s32 $0x80, s6;
	v10 =	vadd.f32 v13, v10;
	v12 =	vadd.f32 v8, v12;
	v13 =	vmul.f32 v22, v22  }
.Ltmp3:
0x60: {  	v9 =	vadd.f32 v18, v9;
	v8 =	vld [tilespmem:s6+$0x20];
	v16 =	vadd.f32 v14, v11;
	v11 =	vnsel vm2, $0x0, v22;
	(pc) =	sbr.rel @p1 .LBB2_5-.Ltmp3, $4  }
0x61: {  	v14 =	vld [tilespmem:s6+$0x0];
	v10 =	vadd.f32 v13, v10;
	v12 =	vadd.f32 v11, v12;
	v17 =	vmul.f32 v15, v15  }
0x62: {  	v9 =	vadd.f32 v19, v9;
	v15 =	vnsel vm0, $0x0, v15;
	v11 =	vld [tilespmem:s6+$0xFFFFFFE0];
	v13 =	vadd.f32 v20, v16  }
0x63: {  	s8 =	sadd.s32 s7, s2;
	v16 =	vld [tilespmem:s6+$0xFFFFFFC0];
	v10 =	vadd.f32 v17, v10;
	v12 =	vadd.f32 v15, v12  }
0x64: {  	s7 =	sadd.s32 $0x1, s7;
	vm1 =	veq.s32 v6, s8;
	vm0 =	veq.s32 v7, s8;
	v15 =	vld [tilespmem:s6+$0xFFFFFFD0]  }
0x65: {  	_ = 	snop  }
0x66: {  	vm3 =	veq.s32 v2, s8  }
0x67: {  	vm4 =	veq.s32 v4, s8;
	vm2 =	veq.s32 v5, s8;
	vm5 =	veq.s32 v0, s8;
	v17 =	vld [tilespmem:s6+$0xFFFFFFF0]  }
0x68: {  	s7 =	sadd.s32 @!p0 s11, s4;
	vm6 =	veq.s32 v1, s8;
	vm7 =	veq.s32 v3, s8;
	v18 =	vmul.f32 v16, v16  }
0x69: {  	v21 =	vld [tilespmem:s6+$0x10];
	s8 =	simm.s32 @!p0 $0x20000;
	s7 =	sshrl.u32 @!p0 s7, $0x3;
	v19 =	vnsel vm4, $0x0, v14;
	v14 =	vmul.f32 v14, v14;
	v20 =	vnsel vm3, $0x0, v11  }
0x6a: {  	s9 =	simm.s32 @!p0 $0x1400;
	s7 =	sadd.s32 @!p0 s1, s7;
	v16 =	vnsel vm5, $0x0, v16;
	v22 =	vmul.f32 v15, v15;
	v13 =	vadd.f32 v18, v13;
	v18 =	vld [tilespmem:s6+$0x30];
	s6 =	simm.s32 @!p0 $0x400  }
0x6b: {  	v11 =	vmul.f32 v11, v11;
	v9 =	vadd.f32 v16, v9;
	v15 =	vnsel vm6, $0x0, v15;
	[tilespmem:s9], [sflag:$0x2] =	stream.strided.gather @!p0 [hbm4b:s7+s6], $0x1400, s8, s6, $0x38;
	[tilespmem:$0x6500] =	vst v63  }
0x6c: {  	v12 =	vadd.f32 v15, v12;
	v15 =	vmul.f32 v17, v17;
	v10 =	vadd.f32 v22, v10;
	_ =	swait.ge [sflag:s28], $0x1400  }
0x6d: {  	v9 =	vadd.f32 v20, v9;
	v11 =	vadd.f32 v11, v13;
	v13 =	vnsel vm7, $0x0, v17;
	[sflag:s28] =	ssyncset.done $0x0  }
0x6e: {  	s6 =	simm.s32 $0x2840;
	v10 =	vadd.f32 v15, v10;
	v12 =	vadd.f32 v13, v12;
	v13 =	vmul.f32 v21, v21;
	[sflag:s28] =	ssyncadd.s32 $0xFFFFEC00  }
0x6f: {  	v17 =	vnsel vm2, $0x0, v21;
	v15 =	vmul.f32 v8, v8;
	v16 =	vadd.f32 v19, v9;
	v9 =	vld [tilespmem:s6+$0x20]  }
0x70: {  	v8 =	vnsel vm1, $0x0, v8;
	v11 =	vadd.f32 v14, v11;
	v10 =	vadd.f32 v13, v10;
	v14 =	vld [tilespmem:s6+$0x0]  }
0x71: {  	s8 =	sadd.s32 $0x0, s17;
	v19 =	vmul.f32 v18, v18;
	v12 =	vadd.f32 v17, v12;
	v8 =	vadd.f32 v8, v16;
	v16 =	vld [tilespmem:s6+$0xFFFFFFC0]  }
0x72: {  	vm1 =	veq.s32 v6, s8;
	v13 =	vadd.f32 v15, v11;
	v11 =	vld [tilespmem:s6+$0xFFFFFFE0];
	v15 =	vnsel vm0, $0x0, v18  }
0x73: {  	s7 =	simm.s32 $0x1;
	vm0 =	veq.s32 v7, s8;
	v10 =	vadd.f32 v19, v10;
	v12 =	vadd.f32 v15, v12;
	v15 =	vld [tilespmem:s6+$0xFFFFFFD0]  }
.LBB2_7:
0x74: {  	p1 =	sne.s32 s7, $0x27;
	vm3 =	veq.s32 v2, s8;
	vm4 =	veq.s32 v4, s8;
	vm2 =	veq.s32 v5, s8  }
0x75: {  	vm5 =	veq.s32 v0, s8;
	vm6 =	veq.s32 v1, s8;
	vm7 =	veq.s32 v3, s8;
	v17 =	vld [tilespmem:s6+$0xFFFFFFF0]  }
0x76: {  	v19 =	vnsel vm1, $0x0, v9;
	v20 =	vmul.f32 v9, v9;
	v18 =	vnsel vm4, $0x0, v14  }
0x77: {  	v14 =	vmul.f32 v14, v14;
	v21 =	vnsel vm3, $0x0, v11;
	v9 =	vmul.f32 v16, v16;
	v22 =	vld [tilespmem:s6+$0x10]  }
0x78: {  	v11 =	vmul.f32 v11, v11;
	v16 =	vnsel vm5, $0x0, v16;
	v23 =	vmul.f32 v15, v15  }
0x79: {  	v8 =	vadd.f32 v16, v8;
	v9 =	vadd.f32 v9, v13;
	v13 =	vnsel vm6, $0x0, v15;
	v15 =	vld [tilespmem:s6+$0x30]  }
0x7a: {  	v10 =	vadd.f32 v23, v10;
	v12 =	vadd.f32 v13, v12;
	v13 =	vmul.f32 v17, v17  }
0x7b: {  	v8 =	vadd.f32 v21, v8;
	v11 =	vadd.f32 v11, v9;
	v9 =	vnsel vm7, $0x0, v17  }
0x7c: {  	s6 =	sadd.s32 $0x80, s6;
	v10 =	vadd.f32 v13, v10;
	v12 =	vadd.f32 v9, v12;
	v13 =	vmul.f32 v22, v22  }
.Ltmp4:
0x7d: {  	v8 =	vadd.f32 v18, v8;
	v9 =	vld [tilespmem:s6+$0x20];
	v16 =	vadd.f32 v14, v11;
	v11 =	vnsel vm2, $0x0, v22;
	(pc) =	sbr.rel @p1 .LBB2_7-.Ltmp4, $4  }
0x7e: {  	v14 =	vld [tilespmem:s6+$0x0];
	v10 =	vadd.f32 v13, v10;
	v12 =	vadd.f32 v11, v12;
	v17 =	vmul.f32 v15, v15  }
0x7f: {  	v8 =	vadd.f32 v19, v8;
	v15 =	vnsel vm0, $0x0, v15;
	v11 =	vld [tilespmem:s6+$0xFFFFFFE0];
	v13 =	vadd.f32 v20, v16  }
0x80: {  	s8 =	sadd.s32 s7, s17;
	v16 =	vld [tilespmem:s6+$0xFFFFFFC0];
	v10 =	vadd.f32 v17, v10;
	v12 =	vadd.f32 v15, v12  }
0x81: {  	s7 =	sadd.s32 $0x1, s7;
	vm1 =	veq.s32 v6, s8;
	vm0 =	veq.s32 v7, s8;
	v15 =	vld [tilespmem:s6+$0xFFFFFFD0]  }
0x82: {  	_ = 	snop  }
0x83: {  	vm3 =	veq.s32 v2, s8  }
0x84: {  	vm4 =	veq.s32 v4, s8;
	vm2 =	veq.s32 v5, s8;
	vm5 =	veq.s32 v0, s8;
	v17 =	vld [tilespmem:s6+$0xFFFFFFF0]  }
0x85: {  	s7 =	sadd.s32 @!p0 s12, s4;
	vm6 =	veq.s32 v1, s8;
	vm7 =	veq.s32 v3, s8;
	v18 =	vmul.f32 v16, v16  }
0x86: {  	v21 =	vld [tilespmem:s6+$0x10];
	s8 =	simm.s32 @!p0 $0x20000;
	s7 =	sshrl.u32 @!p0 s7, $0x3;
	v19 =	vnsel vm4, $0x0, v14;
	v14 =	vmul.f32 v14, v14;
	v20 =	vnsel vm3, $0x0, v11  }
0x87: {  	s9 =	simm.s32 @!p0 $0x2800;
	s7 =	sadd.s32 @!p0 s1, s7;
	v16 =	vnsel vm5, $0x0, v16;
	v22 =	vmul.f32 v15, v15;
	v13 =	vadd.f32 v18, v13;
	v18 =	vld [tilespmem:s6+$0x30];
	s6 =	simm.s32 @!p0 $0x400  }
0x88: {  	v11 =	vmul.f32 v11, v11;
	v8 =	vadd.f32 v16, v8;
	v15 =	vnsel vm6, $0x0, v15;
	[tilespmem:s9], [sflag:$0x3] =	stream.strided.gather @!p0 [hbm4b:s7+s6], $0x1400, s8, s6, $0x38;
	[tilespmem:$0x6500] =	vst v63  }
0x89: {  	v12 =	vadd.f32 v15, v12;
	v15 =	vmul.f32 v17, v17;
	v10 =	vadd.f32 v22, v10;
	_ =	swait.ge [sflag:s29], $0x1400  }
0x8a: {  	v8 =	vadd.f32 v20, v8;
	v11 =	vadd.f32 v11, v13;
	v13 =	vnsel vm7, $0x0, v17;
	[sflag:s29] =	ssyncset.done $0x0  }
0x8b: {  	s6 =	simm.s32 $0x3C40;
	v10 =	vadd.f32 v15, v10;
	v12 =	vadd.f32 v13, v12;
	v13 =	vmul.f32 v21, v21;
	[sflag:s29] =	ssyncadd.s32 $0xFFFFEC00  }
0x8c: {  	v17 =	vnsel vm2, $0x0, v21;
	v15 =	vmul.f32 v9, v9;
	v16 =	vadd.f32 v19, v8;
	v8 =	vld [tilespmem:s6+$0x20]  }
0x8d: {  	v9 =	vnsel vm1, $0x0, v9;
	v11 =	vadd.f32 v14, v11;
	v10 =	vadd.f32 v13, v10;
	v14 =	vld [tilespmem:s6+$0x0]  }
0x8e: {  	s8 =	sadd.s32 $0x0, s21;
	v19 =	vmul.f32 v18, v18;
	v12 =	vadd.f32 v17, v12;
	v9 =	vadd.f32 v9, v16;
	v16 =	vld [tilespmem:s6+$0xFFFFFFC0]  }
0x8f: {  	vm1 =	veq.s32 v6, s8;
	v13 =	vadd.f32 v15, v11;
	v11 =	vld [tilespmem:s6+$0xFFFFFFE0];
	v15 =	vnsel vm0, $0x0, v18  }
0x90: {  	s7 =	simm.s32 $0x1;
	vm0 =	veq.s32 v7, s8;
	v10 =	vadd.f32 v19, v10;
	v12 =	vadd.f32 v15, v12;
	v15 =	vld [tilespmem:s6+$0xFFFFFFD0]  }
.LBB2_9:
0x91: {  	p1 =	sne.s32 s7, $0x27;
	vm3 =	veq.s32 v2, s8;
	vm4 =	veq.s32 v4, s8;
	vm2 =	veq.s32 v5, s8  }
0x92: {  	vm5 =	veq.s32 v0, s8;
	vm6 =	veq.s32 v1, s8;
	vm7 =	veq.s32 v3, s8;
	v17 =	vld [tilespmem:s6+$0xFFFFFFF0]  }
0x93: {  	v19 =	vnsel vm1, $0x0, v8;
	v20 =	vmul.f32 v8, v8;
	v18 =	vnsel vm4, $0x0, v14  }
0x94: {  	v14 =	vmul.f32 v14, v14;
	v21 =	vnsel vm3, $0x0, v11;
	v8 =	vmul.f32 v16, v16;
	v22 =	vld [tilespmem:s6+$0x10]  }
0x95: {  	v11 =	vmul.f32 v11, v11;
	v16 =	vnsel vm5, $0x0, v16;
	v23 =	vmul.f32 v15, v15  }
0x96: {  	v9 =	vadd.f32 v16, v9;
	v8 =	vadd.f32 v8, v13;
	v13 =	vnsel vm6, $0x0, v15;
	v15 =	vld [tilespmem:s6+$0x30]  }
0x97: {  	v10 =	vadd.f32 v23, v10;
	v12 =	vadd.f32 v13, v12;
	v13 =	vmul.f32 v17, v17  }
0x98: {  	v9 =	vadd.f32 v21, v9;
	v11 =	vadd.f32 v11, v8;
	v8 =	vnsel vm7, $0x0, v17  }
0x99: {  	s6 =	sadd.s32 $0x80, s6;
	v10 =	vadd.f32 v13, v10;
	v12 =	vadd.f32 v8, v12;
	v13 =	vmul.f32 v22, v22  }
.Ltmp5:
0x9a: {  	v9 =	vadd.f32 v18, v9;
	v8 =	vld [tilespmem:s6+$0x20];
	v16 =	vadd.f32 v14, v11;
	v11 =	vnsel vm2, $0x0, v22;
	(pc) =	sbr.rel @p1 .LBB2_9-.Ltmp5, $4  }
0x9b: {  	v14 =	vld [tilespmem:s6+$0x0];
	v10 =	vadd.f32 v13, v10;
	v12 =	vadd.f32 v11, v12;
	v17 =	vmul.f32 v15, v15  }
0x9c: {  	v9 =	vadd.f32 v19, v9;
	v15 =	vnsel vm0, $0x0, v15;
	v11 =	vld [tilespmem:s6+$0xFFFFFFE0];
	v13 =	vadd.f32 v20, v16  }
0x9d: {  	s8 =	sadd.s32 s7, s21;
	v16 =	vld [tilespmem:s6+$0xFFFFFFC0];
	v10 =	vadd.f32 v17, v10;
	v12 =	vadd.f32 v15, v12  }
0x9e: {  	s7 =	sadd.s32 $0x1, s7;
	vm1 =	veq.s32 v6, s8;
	vm0 =	veq.s32 v7, s8;
	v15 =	vld [tilespmem:s6+$0xFFFFFFD0]  }
0x9f: {  	_ = 	snop  }
0xa0: {  	vm3 =	veq.s32 v2, s8  }
0xa1: {  	vm4 =	veq.s32 v4, s8;
	vm2 =	veq.s32 v5, s8;
	vm5 =	veq.s32 v0, s8;
	v17 =	vld [tilespmem:s6+$0xFFFFFFF0]  }
0xa2: {  	s4 =	sadd.s32 @!p0 s13, s4;
	vm6 =	veq.s32 v1, s8;
	vm7 =	veq.s32 v3, s8;
	v18 =	vmul.f32 v16, v16  }
0xa3: {  	v21 =	vld [tilespmem:s6+$0x10];
	s7 =	simm.s32 @!p0 $0x20000;
	s4 =	sshrl.u32 @!p0 s4, $0x3;
	v19 =	vnsel vm4, $0x0, v14;
	v14 =	vmul.f32 v14, v14;
	v20 =	vnsel vm3, $0x0, v11  }
0xa4: {  	s8 =	simm.s32 @!p0 $0x3C00;
	s4 =	sadd.s32 @!p0 s1, s4;
	v16 =	vnsel vm5, $0x0, v16;
	v22 =	vmul.f32 v15, v15;
	v13 =	vadd.f32 v18, v13;
	v18 =	vld [tilespmem:s6+$0x30];
	s6 =	simm.s32 @!p0 $0x400  }
0xa5: {  	v11 =	vmul.f32 v11, v11;
	v9 =	vadd.f32 v16, v9;
	v15 =	vnsel vm6, $0x0, v15;
	[tilespmem:s8], [sflag:$0x4] =	stream.strided.gather @!p0 [hbm4b:s4+s6], $0x1400, s7, s6, $0x38;
	[tilespmem:$0x6500] =	vst v63  }
0xa6: {  	v12 =	vadd.f32 v15, v12;
	v15 =	vmul.f32 v17, v17;
	v10 =	vadd.f32 v22, v10;
	_ =	swait.ge [sflag:s30], $0x1400  }
0xa7: {  	v9 =	vadd.f32 v20, v9;
	v11 =	vadd.f32 v11, v13;
	v13 =	vnsel vm7, $0x0, v17;
	[sflag:s30] =	ssyncset.done $0x0  }
0xa8: {  	s4 =	simm.s32 $0x5040;
	v10 =	vadd.f32 v15, v10;
	v13 =	vadd.f32 v13, v12;
	v12 =	vmul.f32 v21, v21;
	[sflag:s30] =	ssyncadd.s32 $0xFFFFEC00  }
0xa9: {  	v16 =	vnsel vm2, $0x0, v21;
	s7 =	sadd.s32 $0x0, s22;
	v11 =	vadd.f32 v14, v11;
	v14 =	vadd.f32 v19, v9;
	v9 =	vld [tilespmem:s4+$0x20]  }
0xaa: {  	vm2 =	veq.s32 v6, s7;
	v15 =	vmul.f32 v8, v8;
	v17 =	vadd.f32 v12, v10;
	v12 =	vld [tilespmem:s4+$0x0]  }
0xab: {  	v19 =	vmul.f32 v18, v18;
	v10 =	vnsel vm1, $0x0, v8;
	v63 =	vadd.f32 v16, v13;
	v13 =	vld [tilespmem:s4+$0xFFFFFFE0]  }
0xac: {  	v16 =	vld [tilespmem:s4+$0xFFFFFFC0];
	v8 =	vadd.f32 v15, v11;
	v10 =	vadd.f32 v10, v14;
	v14 =	vnsel vm0, $0x0, v18  }
0xad: {  	s6 =	simm.s32 $0x1;
	v15 =	vld [tilespmem:s4+$0xFFFFFFD0];
	vm0 =	veq.s32 v7, s7;
	v11 =	vadd.f32 v19, v17;
	v14 =	vadd.f32 v14, v63  }
.LBB2_11:
0xae: {  	p1 =	sne.s32 s6, $0x27;
	vm3 =	veq.s32 v2, s7;
	vm4 =	veq.s32 v4, s7;
	vm1 =	veq.s32 v5, s7  }
0xaf: {  	vm5 =	veq.s32 v0, s7;
	vm6 =	veq.s32 v1, s7;
	vm7 =	veq.s32 v3, s7;
	v17 =	vld [tilespmem:s4+$0xFFFFFFF0]  }
0xb0: {  	v19 =	vnsel vm2, $0x0, v9;
	v20 =	vmul.f32 v9, v9;
	v18 =	vnsel vm4, $0x0, v12  }
0xb1: {  	v12 =	vmul.f32 v12, v12;
	v21 =	vnsel vm3, $0x0, v13;
	v9 =	vmul.f32 v16, v16;
	v22 =	vld [tilespmem:s4+$0x10]  }
0xb2: {  	v13 =	vmul.f32 v13, v13;
	v16 =	vnsel vm5, $0x0, v16;
	v23 =	vmul.f32 v15, v15  }
0xb3: {  	v8 =	vadd.f32 v9, v8;
	v9 =	vadd.f32 v16, v10;
	v10 =	vnsel vm6, $0x0, v15;
	v15 =	vld [tilespmem:s4+$0x30]  }
0xb4: {  	v11 =	vadd.f32 v23, v11;
	v10 =	vadd.f32 v10, v14;
	v14 =	vmul.f32 v17, v17  }
0xb5: {  	v8 =	vadd.f32 v13, v8;
	v13 =	vadd.f32 v21, v9;
	v9 =	vnsel vm7, $0x0, v17  }
0xb6: {  	s4 =	sadd.s32 $0x80, s4;
	v11 =	vadd.f32 v14, v11;
	v10 =	vadd.f32 v9, v10;
	v14 =	vmul.f32 v22, v22  }
.Ltmp6:
0xb7: {  	v9 =	vld [tilespmem:s4+$0x20];
	v8 =	vadd.f32 v12, v8;
	v16 =	vadd.f32 v18, v13;
	v13 =	vnsel vm1, $0x0, v22;
	(pc) =	sbr.rel @p1 .LBB2_11-.Ltmp6, $4  }
0xb8: {  	v12 =	vld [tilespmem:s4+$0x0];
	v11 =	vadd.f32 v14, v11;
	v14 =	vadd.f32 v13, v10;
	v17 =	vmul.f32 v15, v15  }
0xb9: {  	v15 =	vnsel vm0, $0x0, v15;
	v13 =	vld [tilespmem:s4+$0xFFFFFFE0];
	v8 =	vadd.f32 v20, v8;
	v10 =	vadd.f32 v19, v16  }
0xba: {  	s7 =	sadd.s32 s6, s22;
	v16 =	vld [tilespmem:s4+$0xFFFFFFC0];
	v11 =	vadd.f32 v17, v11;
	v14 =	vadd.f32 v15, v14  }
0xbb: {  	s6 =	sadd.s32 $0x1, s6;
	vm2 =	veq.s32 v6, s7;
	vm0 =	veq.s32 v7, s7;
	v15 =	vld [tilespmem:s4+$0xFFFFFFD0]  }
0xbc: {  	vm1 =	veq.s32 v2, s7;
	vm3 =	veq.s32 v4, s7;
	vm4 =	veq.s32 v5, s7  }
0xbd: {  	vm5 =	veq.s32 v0, s7;
	vm6 =	veq.s32 v1, s7;
	v17 =	vld [tilespmem:s4+$0xFFFFFFF0];
	vm7 =	veq.s32 v3, s7  }
0xbe: {  	v19 =	vnsel vm2, $0x0, v9;
	v9 =	vmul.f32 v9, v9;
	v18 =	vnsel vm3, $0x0, v12  }
0xbf: {  	v22 =	vld [tilespmem:s4+$0x10];
	v12 =	vmul.f32 v12, v12;
	v21 =	vnsel vm1, $0x0, v13;
	v20 =	vmul.f32 v16, v16  }
0xc0: {  	v13 =	vmul.f32 v13, v13;
	v62 =	vnsel vm5, $0x0, v16;
	v23 =	vmul.f32 v15, v15  }
0xc1: {  	v10 =	vadd.f32 v62, v10;
	v15 =	vnsel vm6, $0x0, v15;
	v8 =	vadd.f32 v20, v8  }
0xc2: {  	v63 =	vld [tilespmem:s4+$0x30];
	v14 =	vadd.f32 v15, v14;
	v15 =	vmul.f32 v17, v17;
	v11 =	vadd.f32 v23, v11  }
0xc3: {  	v10 =	vadd.f32 v21, v10;
	v8 =	vadd.f32 v13, v8;
	v13 =	vnsel vm7, $0x0, v17  }
0xc4: {  	v11 =	vadd.f32 v15, v11;
	v13 =	vadd.f32 v13, v14;
	v14 =	vmul.f32 v22, v22  }
.Ltmp7:
0xc5: {  	v10 =	vadd.f32 v18, v10;
	v8 =	vadd.f32 v12, v8;
	v12 =	vnsel vm4, $0x0, v22;
	(pc) =	sbr.rel @p0 .LBB2_14-.Ltmp7, $4  }
0xc6: {  	v11 =	vadd.f32 v14, v11;
	v13 =	vadd.f32 v12, v13  }
0xc7: {  	v14 =	vmul.f32 v63, v63;
	v12 =	vadd.f32 v9, v8;
	v8 =	vnsel vm0, $0x0, v63  }
0xc8: {  	v9 =	vadd.f32 v19, v10;
	v8 =	vadd.f32 v8, v13  }
0xc9: {  	v10 =	vadd.f32 v14, v11  }
0xca: {  	s4 =	smul.u32 $0x320000, s31  }
.Ltmp8:
0xcb: {  	_ = 	snop;
	(pc) =	sbr.rel .LBB2_2-.Ltmp8, $4  }
0xcc: {  	s31 =	sadd.s32 $0x1, s31;
	s23 =	sadd.s32 $0xC8, s23;
	s4 =	sadd.s32 s14, s4  }
0xcd: {  	s2 =	sadd.s32 $0xC8, s2;
	s17 =	sadd.s32 $0xC8, s17;
	s4 =	sshrl.u32 s4, $0x3  }
0xce: {  	s21 =	sadd.s32 $0xC8, s21;
	s22 =	sadd.s32 $0xC8, s22;
	s4 =	sadd.s32 s1, s4  }
0xcf: {  	[tilespmem:s24], [sflag:$0x5] =	stream.strided.gather [hbm4b:s4+s19], $0x1400, s20, s19, $0x38;
	[tilespmem:$0x6500] =	vst v63  }
.LBB2_15:
0xd0: {  	_ =	sfence.sel $0x180000  }
0xd1: {  	[bflag:$0x0] =	sbarrier.arrive $0xFFFF  }
0xd2: {  	_ =	strace $0x90000047  }
0xd3: {  	s0 =	stileid.u32;
	[bflag:$0x2] =	sbarrier.arrive $0xFFFF  }
0xd4: {  	p0 =	sne.s32 s0, $0x0;
	s0 =	rddreg [dreg:$0x3]  }
0xd5: {  	s0 =	sadd.s32 @!p0 $0x100000, s0  }
0xd6: {  	[sflag:s0] =	ssyncadd.tile.s32 @!p0 $0x1;
	_ =	shalt  }
.Lfunc_end2:
_tile_overlayer_lowered:
.L_overlay_start_2:
0xd7: {  	(tag) =	ssettag $0x2  }
0xd8: {  	s0 =	rddreg [dreg:$0x0];
	s2 =	stileid.u32  }
0xd9: {  	s1 =	rddreg [dreg:$0x1];
	p0 =	sne.s32 s2, $0x0  }
0xda: {  	s3 =	rddreg [dreg:$0x2];
	[bflag:$0x3] =	sbarrier.arrive $0xFFFF;
	s2 =	simm.s32 @!p0 $0x1C06  }
0xdb: {  	[timem:s3], [sflag:s2] =	dma.local @!p0 [hbm:s0], s1  }
0xdc: {  	s0 =	simm.s32 @!p0 $0x6  }
0xdd: {  	_ =	swait.ge @!p0 [sflag:s0], s1  }
0xde: {  	s1 =	ssub.s32 @!p0 $0x0, s1;
	[sflag:s0] =	ssyncset.done @!p0 $0x0  }
0xdf: {  	[sflag:s0] =	ssyncadd.s32 @!p0 s1  }
0xe0: {  	[bflag:$0x3] =	sbarrier.arrive $0xFFFF  }
0xe1: {  	_ =	shalt  }

</sc_bundles>
